<compile_context>
chip_gen: v7x
topology: tpu7x:2x2x1
jax: 0.10.2.dev20260603
libtpu: 0.0.44.dev20260713+nightly
codegen_flags: <defaults>
</compile_context>

<pallas_src>
import functools

import jax
import jax.numpy as jnp
from jax import lax
from jax.experimental import pallas as pl
from jax.experimental.pallas import tpu as pltpu
from jax.experimental.pallas import tpu_sc as plsc
_NC = 2
_NS = 16
_NW = _NC * _NS
_CH = 128
_NBUF = 8
_L = 4


@functools.lru_cache(maxsize=None)
def _build(B, V, D):
    assert B % (_NW * _CH) == 0
    b_per_w = B // _NW
    n_ch = b_per_w // _CH
    assert n_ch % _NBUF == 0 and n_ch > 2 * _NBUF

    mesh = plsc.VectorSubcoreMesh(core_axis_name="c", subcore_axis_name="s")

    @functools.partial(
        pl.kernel,
        out_type=jax.ShapeDtypeStruct((B, D), jnp.float32),
        mesh=mesh,
        scratch_types=[
            pltpu.VMEM((n_ch, _CH), jnp.int32),
            pltpu.VMEM((_NBUF, _CH, D), jnp.float32),
            [pltpu.SemaphoreType.DMA] * _NBUF,
            [pltpu.SemaphoreType.DMA] * _NBUF,
        ],
        compiler_params=pltpu.CompilerParams(use_tc_tiling_on_sc=False),
    )
    def gather_kernel(idx_hbm, table_hbm, out_hbm, idx_v, rows_v, gsems, osems):
        wid = lax.axis_index("s") * _NC + lax.axis_index("c")
        base = wid * b_per_w
        pltpu.sync_copy(idx_hbm.at[wid], idx_v)

        def fire_gather(c, slot):
            pltpu.async_copy(table_hbm.at[idx_v.at[c]], rows_v.at[slot],
                             gsems[slot])

        def wait_gather(c, slot):
            pltpu.make_async_copy(table_hbm.at[idx_v.at[c]], rows_v.at[slot],
                                  gsems[slot]).wait()

        def fire_store(c, slot):
            pltpu.async_copy(rows_v.at[slot],
                             out_hbm.at[pl.ds(base + c * _CH, _CH)],
                             osems[slot])

        def wait_store(c, slot):
            pltpu.make_async_copy(rows_v.at[slot],
                                  out_hbm.at[pl.ds(base + c * _CH, _CH)],
                                  osems[slot]).wait()

        for c in range(_L):
            fire_gather(c, c % _NBUF)
        for c in range(_NBUF - _L):
            fire_gather(c + _L, (c + _L) % _NBUF)
            wait_gather(c, c % _NBUF)
            fire_store(c, c % _NBUF)

        @pl.loop(_NBUF - _L, n_ch - _L, step=_NBUF)
        def _steady(j):
            for b in range(_NBUF):
                c = j + b
                slot = (b + _NBUF - _L) % _NBUF
                wait_store(c + _L - _NBUF, b)
                fire_gather(c + _L, b)
                wait_gather(c, slot)
                fire_store(c, slot)

        for c in range(n_ch - _L, n_ch):
            wait_gather(c, c % _NBUF)
            fire_store(c, c % _NBUF)
        for c in range(n_ch - _NBUF, n_ch):
            wait_store(c, c % _NBUF)

    return gather_kernel


def kernel(indices_, table):
    Bb, H = indices_.shape
    V, D = table.shape
    B = Bb * H
    b_per_w = B // _NW
    idx3 = indices_.reshape(_NW, b_per_w // _CH, _CH).astype(jnp.int32)
    out = _build(B, V, D)(idx3, table)
    return out.reshape(Bb, H, D)

# --- scband reference (transcript-rebuilt; emitter-appended) ---
"""Pipeline reference for scband-large-embedding-42150809043411 (READ-ONLY COPY).

The authoritative reference and input builder live on the scoring server;
editing this copy changes nothing except your own understanding.
"""

import jax, jax.numpy as jnp
import numpy as np

NUM_EMBEDDINGS = 1000000
EMBEDDING_DIM = 64
BATCH = 16384
HIST_LEN = 50


def setup_inputs(seed: int = 0) -> dict:
    key = jax.random.key(seed)
    k_idx, k_tbl = jax.random.split(key)
    indices_ = jax.random.randint(k_idx, (BATCH, HIST_LEN), 0, NUM_EMBEDDINGS)
    # Learned embedding table (equivalent to the single nn.Embedding page when devices=None)
    table = jax.random.normal(k_tbl, (NUM_EMBEDDINGS, EMBEDDING_DIM), dtype=jnp.float32) * 0.02
    return {"indices_": indices_, "table": table}


def reference(indices_, table):
    # With devices=None the module falls through to self.embeddings[0](indices_),
    # i.e., a plain embedding lookup: each index is replaced by its word vector.
    embedded = jnp.take(table, indices_, axis=0)
    return embedded

if __name__ == "__main__":
    import jax
    _d = setup_inputs()
    print(jax.jit(kernel)(*tuple(_d.values())))

</pallas_src>

<mosaic_0001>
#map = affine_map<(d0, d1) -> (0, 0, 0)>
#map1 = affine_map<(d0, d1) -> (0, 0)>
module attributes {stable_mosaic.version = 14 : i64} {
  func.func @gather_kernel(%arg0: i32, %arg1: i32, %arg2: memref<32x200x128xi32, #tpu.memory_space<hbm>>, %arg3: memref<1000000x64xf32, #tpu.memory_space<hbm>>, %arg4: memref<819200x64xf32, #tpu.memory_space<hbm>>, %arg5: memref<200x128xi32, #tpu.memory_space<vmem>>, %arg6: memref<8x128x64xf32, #tpu.memory_space<vmem>>, %arg7: memref<!tpu.dma_semaphore, #tpu.memory_space<semaphore_mem>>, %arg8: memref<!tpu.dma_semaphore, #tpu.memory_space<semaphore_mem>>, %arg9: memref<!tpu.dma_semaphore, #tpu.memory_space<semaphore_mem>>, %arg10: memref<!tpu.dma_semaphore, #tpu.memory_space<semaphore_mem>>, %arg11: memref<!tpu.dma_semaphore, #tpu.memory_space<semaphore_mem>>, %arg12: memref<!tpu.dma_semaphore, #tpu.memory_space<semaphore_mem>>, %arg13: memref<!tpu.dma_semaphore, #tpu.memory_space<semaphore_mem>>, %arg14: memref<!tpu.dma_semaphore, #tpu.memory_space<semaphore_mem>>, %arg15: memref<!tpu.dma_semaphore, #tpu.memory_space<semaphore_mem>>, %arg16: memref<!tpu.dma_semaphore, #tpu.memory_space<semaphore_mem>>, %arg17: memref<!tpu.dma_semaphore, #tpu.memory_space<semaphore_mem>>, %arg18: memref<!tpu.dma_semaphore, #tpu.memory_space<semaphore_mem>>, %arg19: memref<!tpu.dma_semaphore, #tpu.memory_space<semaphore_mem>>, %arg20: memref<!tpu.dma_semaphore, #tpu.memory_space<semaphore_mem>>, %arg21: memref<!tpu.dma_semaphore, #tpu.memory_space<semaphore_mem>>, %arg22: memref<!tpu.dma_semaphore, #tpu.memory_space<semaphore_mem>>) attributes {dimension_semantics = [#tpu.dimension_semantics<core_parallel>, #tpu.dimension_semantics<subcore_parallel>], iteration_bounds = array<i64: 2, 16>, scalar_prefetch = 0 : i64, scratch_operands = 18 : i64, tpu.core_type = #tpu.core_type<sc_vector_subcore>, window_params = [{transform_indices = #map}, {transform_indices = #map1}, {transform_indices = #map1}]} {
    %mul3A = arith.constant 2 : i32
    %mul3A_0 = arith.muli %arg1, %mul3A : i32
    %add3A = arith.addi %mul3A_0, %arg0 : i32
    %mul3A_1 = arith.constant 25600 : i32
    %mul3A_2 = arith.muli %add3A, %mul3A_1 : i32
    "tpu.region"() ({
      %run_scoped3A = tpu.sem_alloc : memref<!tpu.dma_semaphore, #tpu.memory_space<semaphore_mem>>
      %dma_start3A_437 = arith.constant 0 : i32
      %dma_start3A_438 = arith.constant 0 : i32
      %dma_start3A_439 = tpu.memref_slice %arg2[%add3A, %dma_start3A_437, %dma_start3A_438] : memref<32x200x128xi32, #tpu.memory_space<hbm>> -> memref<1x200x128xi32, #tpu.memory_space<hbm>>
      %dma_start3A_440 = tpu.memref_squeeze %dma_start3A_439 : memref<1x200x128xi32, #tpu.memory_space<hbm>> -> memref<200x128xi32, #tpu.memory_space<hbm>>
      %dma_start3A_441 = arith.constant 0 : i32
      %dma_start3A_442 = arith.constant 0 : i32
      %dma_start3A_443 = tpu.memref_slice %arg2[%add3A, %dma_start3A_441, %dma_start3A_442] : memref<32x200x128xi32, #tpu.memory_space<hbm>> -> memref<1x200x128xi32, #tpu.memory_space<hbm>>
      %dma_start3A_444 = tpu.memref_squeeze %dma_start3A_443 : memref<1x200x128xi32, #tpu.memory_space<hbm>> -> memref<200x128xi32, #tpu.memory_space<hbm>>
      tpu.enqueue_dma source(%dma_start3A_444 : memref<200x128xi32, #tpu.memory_space<hbm>>) target(%arg5 : memref<200x128xi32, #tpu.memory_space<vmem>>) target_semaphore(%run_scoped3A : memref<!tpu.dma_semaphore, #tpu.memory_space<semaphore_mem>>)
      %dma_wait3A_445 = arith.constant 0 : i32
      %dma_wait3A_446 = arith.constant 0 : i32
      %dma_wait3A_447 = tpu.memref_slice %arg2[%add3A, %dma_wait3A_445, %dma_wait3A_446] : memref<32x200x128xi32, #tpu.memory_space<hbm>> -> memref<1x200x128xi32, #tpu.memory_space<hbm>>
      %dma_wait3A_448 = tpu.memref_squeeze %dma_wait3A_447 : memref<1x200x128xi32, #tpu.memory_space<hbm>> -> memref<200x128xi32, #tpu.memory_space<hbm>>
      %dma_wait3A_449 = arith.constant 0 : i32
      %dma_wait3A_450 = arith.constant 0 : i32
      %dma_wait3A_451 = tpu.memref_slice %arg2[%add3A, %dma_wait3A_449, %dma_wait3A_450] : memref<32x200x128xi32, #tpu.memory_space<hbm>> -> memref<1x200x128xi32, #tpu.memory_space<hbm>>
      %dma_wait3A_452 = tpu.memref_squeeze %dma_wait3A_451 : memref<1x200x128xi32, #tpu.memory_space<hbm>> -> memref<200x128xi32, #tpu.memory_space<hbm>>
      tpu.wait_dma2 semaphore(%run_scoped3A : memref<!tpu.dma_semaphore, #tpu.memory_space<semaphore_mem>>) src(%dma_wait3A_452 : memref<200x128xi32, #tpu.memory_space<hbm>>) dst(%arg5 : memref<200x128xi32, #tpu.memory_space<vmem>>)
      tpu.yield
    }) : () -> ()
    %dma_start3A = arith.constant 0 : i32
    %dma_start3A_3 = arith.constant 0 : i32
    %dma_start3A_4 = arith.constant 0 : i32
    %dma_start3A_5 = arith.constant 0 : i32
    %dma_start3A_6 = tpu.memref_slice %arg6[%dma_start3A_3, %dma_start3A_4, %dma_start3A_5] : memref<8x128x64xf32, #tpu.memory_space<vmem>> -> memref<1x128x64xf32, #tpu.memory_space<vmem>>
    %dma_start3A_7 = tpu.memref_squeeze %dma_start3A_6 : memref<1x128x64xf32, #tpu.memory_space<vmem>> -> memref<128x64xf32, #tpu.memory_space<vmem>>
    %dma_start3A_8 = arith.constant 0 : i32
    %dma_start3A_9 = tpu.memref_slice %arg5[%dma_start3A, %dma_start3A_8] : memref<200x128xi32, #tpu.memory_space<vmem>> -> memref<1x128xi32, #tpu.memory_space<vmem>>
    %dma_start3A_10 = tpu.memref_squeeze %dma_start3A_9 : memref<1x128xi32, #tpu.memory_space<vmem>> -> memref<128xi32, #tpu.memory_space<vmem>>
    %dma_start3A_11 = arith.constant 0 : i32
    %dma_start3A_12 = arith.constant 0 : i32
    %dma_start3A_13 = tpu.memref_slice %arg3[%dma_start3A_11, %dma_start3A_12] : memref<1000000x64xf32, #tpu.memory_space<hbm>> -> memref<1000000x64xf32, #tpu.memory_space<hbm>>
    tpu.enqueue_indirect_dma source(%dma_start3A_13 : memref<1000000x64xf32, #tpu.memory_space<hbm>>) target(%dma_start3A_7 : memref<128x64xf32, #tpu.memory_space<vmem>>) offsets(%dma_start3A_10 : memref<128xi32, #tpu.memory_space<vmem>>) semaphore(%arg7 : memref<!tpu.dma_semaphore, #tpu.memory_space<semaphore_mem>>)
    %dma_start3A_14 = arith.constant 1 : i32
    %dma_start3A_15 = arith.constant 1 : i32
    %dma_start3A_16 = arith.constant 0 : i32
    %dma_start3A_17 = arith.constant 0 : i32
    %dma_start3A_18 = tpu.memref_slice %arg6[%dma_start3A_15, %dma_start3A_16, %dma_start3A_17] : memref<8x128x64xf32, #tpu.memory_space<vmem>> -> memref<1x128x64xf32, #tpu.memory_space<vmem>>
    %dma_start3A_19 = tpu.memref_squeeze %dma_start3A_18 : memref<1x128x64xf32, #tpu.memory_space<vmem>> -> memref<128x64xf32, #tpu.memory_space<vmem>>
    %dma_start3A_20 = arith.constant 0 : i32
    %dma_start3A_21 = tpu.memref_slice %arg5[%dma_start3A_14, %dma_start3A_20] : memref<200x128xi32, #tpu.memory_space<vmem>> -> memref<1x128xi32, #tpu.memory_space<vmem>>
    %dma_start3A_22 = tpu.memref_squeeze %dma_start3A_21 : memref<1x128xi32, #tpu.memory_space<vmem>> -> memref<128xi32, #tpu.memory_space<vmem>>
    %dma_start3A_23 = arith.constant 0 : i32
    %dma_start3A_24 = arith.constant 0 : i32
    %dma_start3A_25 = tpu.memref_slice %arg3[%dma_start3A_23, %dma_start3A_24] : memref<1000000x64xf32, #tpu.memory_space<hbm>> -> memref<1000000x64xf32, #tpu.memory_space<hbm>>
    tpu.enqueue_indirect_dma source(%dma_start3A_25 : memref<1000000x64xf32, #tpu.memory_space<hbm>>) target(%dma_start3A_19 : memref<128x64xf32, #tpu.memory_space<vmem>>) offsets(%dma_start3A_22 : memref<128xi32, #tpu.memory_space<vmem>>) semaphore(%arg8 : memref<!tpu.dma_semaphore, #tpu.memory_space<semaphore_mem>>)
    %dma_start3A_26 = arith.constant 2 : i32
    %dma_start3A_27 = arith.constant 2 : i32
    %dma_start3A_28 = arith.constant 0 : i32
    %dma_start3A_29 = arith.constant 0 : i32
    %dma_start3A_30 = tpu.memref_slice %arg6[%dma_start3A_27, %dma_start3A_28, %dma_start3A_29] : memref<8x128x64xf32, #tpu.memory_space<vmem>> -> memref<1x128x64xf32, #tpu.memory_space<vmem>>
    %dma_start3A_31 = tpu.memref_squeeze %dma_start3A_30 : memref<1x128x64xf32, #tpu.memory_space<vmem>> -> memref<128x64xf32, #tpu.memory_space<vmem>>
    %dma_start3A_32 = arith.constant 0 : i32
    %dma_start3A_33 = tpu.memref_slice %arg5[%dma_start3A_26, %dma_start3A_32] : memref<200x128xi32, #tpu.memory_space<vmem>> -> memref<1x128xi32, #tpu.memory_space<vmem>>
    %dma_start3A_34 = tpu.memref_squeeze %dma_start3A_33 : memref<1x128xi32, #tpu.memory_space<vmem>> -> memref<128xi32, #tpu.memory_space<vmem>>
    %dma_start3A_35 = arith.constant 0 : i32
    %dma_start3A_36 = arith.constant 0 : i32
    %dma_start3A_37 = tpu.memref_slice %arg3[%dma_start3A_35, %dma_start3A_36] : memref<1000000x64xf32, #tpu.memory_space<hbm>> -> memref<1000000x64xf32, #tpu.memory_space<hbm>>
    tpu.enqueue_indirect_dma source(%dma_start3A_37 : memref<1000000x64xf32, #tpu.memory_space<hbm>>) target(%dma_start3A_31 : memref<128x64xf32, #tpu.memory_space<vmem>>) offsets(%dma_start3A_34 : memref<128xi32, #tpu.memory_space<vmem>>) semaphore(%arg9 : memref<!tpu.dma_semaphore, #tpu.memory_space<semaphore_mem>>)
    %dma_start3A_38 = arith.constant 3 : i32
    %dma_start3A_39 = arith.constant 3 : i32
    %dma_start3A_40 = arith.constant 0 : i32
    %dma_start3A_41 = arith.constant 0 : i32
    %dma_start3A_42 = tpu.memref_slice %arg6[%dma_start3A_39, %dma_start3A_40, %dma_start3A_41] : memref<8x128x64xf32, #tpu.memory_space<vmem>> -> memref<1x128x64xf32, #tpu.memory_space<vmem>>
    %dma_start3A_43 = tpu.memref_squeeze %dma_start3A_42 : memref<1x128x64xf32, #tpu.memory_space<vmem>> -> memref<128x64xf32, #tpu.memory_space<vmem>>
    %dma_start3A_44 = arith.constant 0 : i32
    %dma_start3A_45 = tpu.memref_slice %arg5[%dma_start3A_38, %dma_start3A_44] : memref<200x128xi32, #tpu.memory_space<vmem>> -> memref<1x128xi32, #tpu.memory_space<vmem>>
    %dma_start3A_46 = tpu.memref_squeeze %dma_start3A_45 : memref<1x128xi32, #tpu.memory_space<vmem>> -> memref<128xi32, #tpu.memory_space<vmem>>
    %dma_start3A_47 = arith.constant 0 : i32
    %dma_start3A_48 = arith.constant 0 : i32
    %dma_start3A_49 = tpu.memref_slice %arg3[%dma_start3A_47, %dma_start3A_48] : memref<1000000x64xf32, #tpu.memory_space<hbm>> -> memref<1000000x64xf32, #tpu.memory_space<hbm>>
    tpu.enqueue_indirect_dma source(%dma_start3A_49 : memref<1000000x64xf32, #tpu.memory_space<hbm>>) target(%dma_start3A_43 : memref<128x64xf32, #tpu.memory_space<vmem>>) offsets(%dma_start3A_46 : memref<128xi32, #tpu.memory_space<vmem>>) semaphore(%arg10 : memref<!tpu.dma_semaphore, #tpu.memory_space<semaphore_mem>>)
    %dma_start3A_50 = arith.constant 4 : i32
    %dma_start3A_51 = arith.constant 4 : i32
    %dma_start3A_52 = arith.constant 0 : i32
    %dma_start3A_53 = arith.constant 0 : i32
    %dma_start3A_54 = tpu.memref_slice %arg6[%dma_start3A_51, %dma_start3A_52, %dma_start3A_53] : memref<8x128x64xf32, #tpu.memory_space<vmem>> -> memref<1x128x64xf32, #tpu.memory_space<vmem>>
    %dma_start3A_55 = tpu.memref_squeeze %dma_start3A_54 : memref<1x128x64xf32, #tpu.memory_space<vmem>> -> memref<128x64xf32, #tpu.memory_space<vmem>>
    %dma_start3A_56 = arith.constant 0 : i32
    %dma_start3A_57 = tpu.memref_slice %arg5[%dma_start3A_50, %dma_start3A_56] : memref<200x128xi32, #tpu.memory_space<vmem>> -> memref<1x128xi32, #tpu.memory_space<vmem>>
    %dma_start3A_58 = tpu.memref_squeeze %dma_start3A_57 : memref<1x128xi32, #tpu.memory_space<vmem>> -> memref<128xi32, #tpu.memory_space<vmem>>
    %dma_start3A_59 = arith.constant 0 : i32
    %dma_start3A_60 = arith.constant 0 : i32
    %dma_start3A_61 = tpu.memref_slice %arg3[%dma_start3A_59, %dma_start3A_60] : memref<1000000x64xf32, #tpu.memory_space<hbm>> -> memref<1000000x64xf32, #tpu.memory_space<hbm>>
    tpu.enqueue_indirect_dma source(%dma_start3A_61 : memref<1000000x64xf32, #tpu.memory_space<hbm>>) target(%dma_start3A_55 : memref<128x64xf32, #tpu.memory_space<vmem>>) offsets(%dma_start3A_58 : memref<128xi32, #tpu.memory_space<vmem>>) semaphore(%arg11 : memref<!tpu.dma_semaphore, #tpu.memory_space<semaphore_mem>>)
    %dma_wait3A = arith.constant 0 : i32
    %dma_wait3A_62 = arith.constant 0 : i32
    %dma_wait3A_63 = arith.constant 0 : i32
    %dma_wait3A_64 = arith.constant 0 : i32
    %dma_wait3A_65 = tpu.memref_slice %arg6[%dma_wait3A_62, %dma_wait3A_63, %dma_wait3A_64] : memref<8x128x64xf32, #tpu.memory_space<vmem>> -> memref<1x128x64xf32, #tpu.memory_space<vmem>>
    %dma_wait3A_66 = tpu.memref_squeeze %dma_wait3A_65 : memref<1x128x64xf32, #tpu.memory_space<vmem>> -> memref<128x64xf32, #tpu.memory_space<vmem>>
    %dma_wait3A_67 = arith.constant 0 : i32
    %dma_wait3A_68 = tpu.memref_slice %arg5[%dma_wait3A, %dma_wait3A_67] : memref<200x128xi32, #tpu.memory_space<vmem>> -> memref<1x128xi32, #tpu.memory_space<vmem>>
    %dma_wait3A_69 = tpu.memref_squeeze %dma_wait3A_68 : memref<1x128xi32, #tpu.memory_space<vmem>> -> memref<128xi32, #tpu.memory_space<vmem>>
    %dma_wait3A_70 = arith.constant 0 : i32
    %dma_wait3A_71 = arith.constant 0 : i32
    %dma_wait3A_72 = tpu.memref_slice %arg3[%dma_wait3A_70, %dma_wait3A_71] : memref<1000000x64xf32, #tpu.memory_space<hbm>> -> memref<1000000x64xf32, #tpu.memory_space<hbm>>
    tpu.wait_indirect_dma semaphore(%arg7 : memref<!tpu.dma_semaphore, #tpu.memory_space<semaphore_mem>>) src(%dma_wait3A_72 : memref<1000000x64xf32, #tpu.memory_space<hbm>>) dst(%dma_wait3A_66 : memref<128x64xf32, #tpu.memory_space<vmem>>)
    %add3A_73 = arith.constant 0 : i32
    %add3A_74 = arith.addi %mul3A_2, %add3A_73 : i32
    %dma_start3A_75 = arith.constant 0 : i32
    %dma_start3A_76 = arith.constant 0 : i32
    %dma_start3A_77 = arith.constant 0 : i32
    %dma_start3A_78 = tpu.memref_slice %arg6[%dma_start3A_75, %dma_start3A_76, %dma_start3A_77] : memref<8x128x64xf32, #tpu.memory_space<vmem>> -> memref<1x128x64xf32, #tpu.memory_space<vmem>>
    %dma_start3A_79 = tpu.memref_squeeze %dma_start3A_78 : memref<1x128x64xf32, #tpu.memory_space<vmem>> -> memref<128x64xf32, #tpu.memory_space<vmem>>
    %dma_start3A_80 = arith.constant 0 : i32
    %dma_start3A_81 = tpu.memref_slice %arg4[%add3A_74, %dma_start3A_80] : memref<819200x64xf32, #tpu.memory_space<hbm>> -> memref<128x64xf32, #tpu.memory_space<hbm>>
    %dma_start3A_82 = arith.constant 0 : i32
    %dma_start3A_83 = tpu.memref_slice %arg4[%add3A_74, %dma_start3A_82] : memref<819200x64xf32, #tpu.memory_space<hbm>> -> memref<128x64xf32, #tpu.memory_space<hbm>>
    %dma_start3A_84 = arith.constant 0 : i32
    %dma_start3A_85 = arith.constant 0 : i32
    %dma_start3A_86 = tpu.memref_slice %arg6[%dma_start3A_75, %dma_start3A_84, %dma_start3A_85] : memref<8x128x64xf32, #tpu.memory_space<vmem>> -> memref<1x128x64xf32, #tpu.memory_space<vmem>>
    %dma_start3A_87 = tpu.memref_squeeze %dma_start3A_86 : memref<1x128x64xf32, #tpu.memory_space<vmem>> -> memref<128x64xf32, #tpu.memory_space<vmem>>
    tpu.enqueue_dma source(%dma_start3A_87 : memref<128x64xf32, #tpu.memory_space<vmem>>) target(%dma_start3A_83 : memref<128x64xf32, #tpu.memory_space<hbm>>) target_semaphore(%arg15 : memref<!tpu.dma_semaphore, #tpu.memory_space<semaphore_mem>>)
    %dma_start3A_88 = arith.constant 5 : i32
    %dma_start3A_89 = arith.constant 5 : i32
    %dma_start3A_90 = arith.constant 0 : i32
    %dma_start3A_91 = arith.constant 0 : i32
    %dma_start3A_92 = tpu.memref_slice %arg6[%dma_start3A_89, %dma_start3A_90, %dma_start3A_91] : memref<8x128x64xf32, #tpu.memory_space<vmem>> -> memref<1x128x64xf32, #tpu.memory_space<vmem>>
    %dma_start3A_93 = tpu.memref_squeeze %dma_start3A_92 : memref<1x128x64xf32, #tpu.memory_space<vmem>> -> memref<128x64xf32, #tpu.memory_space<vmem>>
    %dma_start3A_94 = arith.constant 0 : i32
    %dma_start3A_95 = tpu.memref_slice %arg5[%dma_start3A_88, %dma_start3A_94] : memref<200x128xi32, #tpu.memory_space<vmem>> -> memref<1x128xi32, #tpu.memory_space<vmem>>
    %dma_start3A_96 = tpu.memref_squeeze %dma_start3A_95 : memref<1x128xi32, #tpu.memory_space<vmem>> -> memref<128xi32, #tpu.memory_space<vmem>>
    %dma_start3A_97 = arith.constant 0 : i32
    %dma_start3A_98 = arith.constant 0 : i32
    %dma_start3A_99 = tpu.memref_slice %arg3[%dma_start3A_97, %dma_start3A_98] : memref<1000000x64xf32, #tpu.memory_space<hbm>> -> memref<1000000x64xf32, #tpu.memory_space<hbm>>
    tpu.enqueue_indirect_dma source(%dma_start3A_99 : memref<1000000x64xf32, #tpu.memory_space<hbm>>) target(%dma_start3A_93 : memref<128x64xf32, #tpu.memory_space<vmem>>) offsets(%dma_start3A_96 : memref<128xi32, #tpu.memory_space<vmem>>) semaphore(%arg12 : memref<!tpu.dma_semaphore, #tpu.memory_space<semaphore_mem>>)
    %dma_wait3A_100 = arith.constant 1 : i32
    %dma_wait3A_101 = arith.constant 1 : i32
    %dma_wait3A_102 = arith.constant 0 : i32
    %dma_wait3A_103 = arith.constant 0 : i32
    %dma_wait3A_104 = tpu.memref_slice %arg6[%dma_wait3A_101, %dma_wait3A_102, %dma_wait3A_103] : memref<8x128x64xf32, #tpu.memory_space<vmem>> -> memref<1x128x64xf32, #tpu.memory_space<vmem>>
    %dma_wait3A_105 = tpu.memref_squeeze %dma_wait3A_104 : memref<1x128x64xf32, #tpu.memory_space<vmem>> -> memref<128x64xf32, #tpu.memory_space<vmem>>
    %dma_wait3A_106 = arith.constant 0 : i32
    %dma_wait3A_107 = tpu.memref_slice %arg5[%dma_wait3A_100, %dma_wait3A_106] : memref<200x128xi32, #tpu.memory_space<vmem>> -> memref<1x128xi32, #tpu.memory_space<vmem>>
    %dma_wait3A_108 = tpu.memref_squeeze %dma_wait3A_107 : memref<1x128xi32, #tpu.memory_space<vmem>> -> memref<128xi32, #tpu.memory_space<vmem>>
    %dma_wait3A_109 = arith.constant 0 : i32
    %dma_wait3A_110 = arith.constant 0 : i32
    %dma_wait3A_111 = tpu.memref_slice %arg3[%dma_wait3A_109, %dma_wait3A_110] : memref<1000000x64xf32, #tpu.memory_space<hbm>> -> memref<1000000x64xf32, #tpu.memory_space<hbm>>
    tpu.wait_indirect_dma semaphore(%arg8 : memref<!tpu.dma_semaphore, #tpu.memory_space<semaphore_mem>>) src(%dma_wait3A_111 : memref<1000000x64xf32, #tpu.memory_space<hbm>>) dst(%dma_wait3A_105 : memref<128x64xf32, #tpu.memory_space<vmem>>)
    %add3A_112 = arith.constant 128 : i32
    %add3A_113 = arith.addi %mul3A_2, %add3A_112 : i32
    %dma_start3A_114 = arith.constant 1 : i32
    %dma_start3A_115 = arith.constant 0 : i32
    %dma_start3A_116 = arith.constant 0 : i32
    %dma_start3A_117 = tpu.memref_slice %arg6[%dma_start3A_114, %dma_start3A_115, %dma_start3A_116] : memref<8x128x64xf32, #tpu.memory_space<vmem>> -> memref<1x128x64xf32, #tpu.memory_space<vmem>>
    %dma_start3A_118 = tpu.memref_squeeze %dma_start3A_117 : memref<1x128x64xf32, #tpu.memory_space<vmem>> -> memref<128x64xf32, #tpu.memory_space<vmem>>
    %dma_start3A_119 = arith.constant 0 : i32
    %dma_start3A_120 = tpu.memref_slice %arg4[%add3A_113, %dma_start3A_119] : memref<819200x64xf32, #tpu.memory_space<hbm>> -> memref<128x64xf32, #tpu.memory_space<hbm>>
    %dma_start3A_121 = arith.constant 0 : i32
    %dma_start3A_122 = tpu.memref_slice %arg4[%add3A_113, %dma_start3A_121] : memref<819200x64xf32, #tpu.memory_space<hbm>> -> memref<128x64xf32, #tpu.memory_space<hbm>>
    %dma_start3A_123 = arith.constant 0 : i32
    %dma_start3A_124 = arith.constant 0 : i32
    %dma_start3A_125 = tpu.memref_slice %arg6[%dma_start3A_114, %dma_start3A_123, %dma_start3A_124] : memref<8x128x64xf32, #tpu.memory_space<vmem>> -> memref<1x128x64xf32, #tpu.memory_space<vmem>>
    %dma_start3A_126 = tpu.memref_squeeze %dma_start3A_125 : memref<1x128x64xf32, #tpu.memory_space<vmem>> -> memref<128x64xf32, #tpu.memory_space<vmem>>
    tpu.enqueue_dma source(%dma_start3A_126 : memref<128x64xf32, #tpu.memory_space<vmem>>) target(%dma_start3A_122 : memref<128x64xf32, #tpu.memory_space<hbm>>) target_semaphore(%arg16 : memref<!tpu.dma_semaphore, #tpu.memory_space<semaphore_mem>>)
    %dma_start3A_127 = arith.constant 6 : i32
    %dma_start3A_128 = arith.constant 6 : i32
    %dma_start3A_129 = arith.constant 0 : i32
    %dma_start3A_130 = arith.constant 0 : i32
    %dma_start3A_131 = tpu.memref_slice %arg6[%dma_start3A_128, %dma_start3A_129, %dma_start3A_130] : memref<8x128x64xf32, #tpu.memory_space<vmem>> -> memref<1x128x64xf32, #tpu.memory_space<vmem>>
    %dma_start3A_132 = tpu.memref_squeeze %dma_start3A_131 : memref<1x128x64xf32, #tpu.memory_space<vmem>> -> memref<128x64xf32, #tpu.memory_space<vmem>>
    %dma_start3A_133 = arith.constant 0 : i32
    %dma_start3A_134 = tpu.memref_slice %arg5[%dma_start3A_127, %dma_start3A_133] : memref<200x128xi32, #tpu.memory_space<vmem>> -> memref<1x128xi32, #tpu.memory_space<vmem>>
    %dma_start3A_135 = tpu.memref_squeeze %dma_start3A_134 : memref<1x128xi32, #tpu.memory_space<vmem>> -> memref<128xi32, #tpu.memory_space<vmem>>
    %dma_start3A_136 = arith.constant 0 : i32
    %dma_start3A_137 = arith.constant 0 : i32
    %dma_start3A_138 = tpu.memref_slice %arg3[%dma_start3A_136, %dma_start3A_137] : memref<1000000x64xf32, #tpu.memory_space<hbm>> -> memref<1000000x64xf32, #tpu.memory_space<hbm>>
    tpu.enqueue_indirect_dma source(%dma_start3A_138 : memref<1000000x64xf32, #tpu.memory_space<hbm>>) target(%dma_start3A_132 : memref<128x64xf32, #tpu.memory_space<vmem>>) offsets(%dma_start3A_135 : memref<128xi32, #tpu.memory_space<vmem>>) semaphore(%arg13 : memref<!tpu.dma_semaphore, #tpu.memory_space<semaphore_mem>>)
    %dma_wait3A_139 = arith.constant 2 : i32
    %dma_wait3A_140 = arith.constant 2 : i32
    %dma_wait3A_141 = arith.constant 0 : i32
    %dma_wait3A_142 = arith.constant 0 : i32
    %dma_wait3A_143 = tpu.memref_slice %arg6[%dma_wait3A_140, %dma_wait3A_141, %dma_wait3A_142] : memref<8x128x64xf32, #tpu.memory_space<vmem>> -> memref<1x128x64xf32, #tpu.memory_space<vmem>>
    %dma_wait3A_144 = tpu.memref_squeeze %dma_wait3A_143 : memref<1x128x64xf32, #tpu.memory_space<vmem>> -> memref<128x64xf32, #tpu.memory_space<vmem>>
    %dma_wait3A_145 = arith.constant 0 : i32
    %dma_wait3A_146 = tpu.memref_slice %arg5[%dma_wait3A_139, %dma_wait3A_145] : memref<200x128xi32, #tpu.memory_space<vmem>> -> memref<1x128xi32, #tpu.memory_space<vmem>>
    %dma_wait3A_147 = tpu.memref_squeeze %dma_wait3A_146 : memref<1x128xi32, #tpu.memory_space<vmem>> -> memref<128xi32, #tpu.memory_space<vmem>>
    %dma_wait3A_148 = arith.constant 0 : i32
    %dma_wait3A_149 = arith.constant 0 : i32
    %dma_wait3A_150 = tpu.memref_slice %arg3[%dma_wait3A_148, %dma_wait3A_149] : memref<1000000x64xf32, #tpu.memory_space<hbm>> -> memref<1000000x64xf32, #tpu.memory_space<hbm>>
    tpu.wait_indirect_dma semaphore(%arg9 : memref<!tpu.dma_semaphore, #tpu.memory_space<semaphore_mem>>) src(%dma_wait3A_150 : memref<1000000x64xf32, #tpu.memory_space<hbm>>) dst(%dma_wait3A_144 : memref<128x64xf32, #tpu.memory_space<vmem>>)
    %add3A_151 = arith.constant 256 : i32
    %add3A_152 = arith.addi %mul3A_2, %add3A_151 : i32
    %dma_start3A_153 = arith.constant 2 : i32
    %dma_start3A_154 = arith.constant 0 : i32
    %dma_start3A_155 = arith.constant 0 : i32
    %dma_start3A_156 = tpu.memref_slice %arg6[%dma_start3A_153, %dma_start3A_154, %dma_start3A_155] : memref<8x128x64xf32, #tpu.memory_space<vmem>> -> memref<1x128x64xf32, #tpu.memory_space<vmem>>
    %dma_start3A_157 = tpu.memref_squeeze %dma_start3A_156 : memref<1x128x64xf32, #tpu.memory_space<vmem>> -> memref<128x64xf32, #tpu.memory_space<vmem>>
    %dma_start3A_158 = arith.constant 0 : i32
    %dma_start3A_159 = tpu.memref_slice %arg4[%add3A_152, %dma_start3A_158] : memref<819200x64xf32, #tpu.memory_space<hbm>> -> memref<128x64xf32, #tpu.memory_space<hbm>>
    %dma_start3A_160 = arith.constant 0 : i32
    %dma_start3A_161 = tpu.memref_slice %arg4[%add3A_152, %dma_start3A_160] : memref<819200x64xf32, #tpu.memory_space<hbm>> -> memref<128x64xf32, #tpu.memory_space<hbm>>
    %dma_start3A_162 = arith.constant 0 : i32
    %dma_start3A_163 = arith.constant 0 : i32
    %dma_start3A_164 = tpu.memref_slice %arg6[%dma_start3A_153, %dma_start3A_162, %dma_start3A_163] : memref<8x128x64xf32, #tpu.memory_space<vmem>> -> memref<1x128x64xf32, #tpu.memory_space<vmem>>
    %dma_start3A_165 = tpu.memref_squeeze %dma_start3A_164 : memref<1x128x64xf32, #tpu.memory_space<vmem>> -> memref<128x64xf32, #tpu.memory_space<vmem>>
    tpu.enqueue_dma source(%dma_start3A_165 : memref<128x64xf32, #tpu.memory_space<vmem>>) target(%dma_start3A_161 : memref<128x64xf32, #tpu.memory_space<hbm>>) target_semaphore(%arg17 : memref<!tpu.dma_semaphore, #tpu.memory_space<semaphore_mem>>)
    %dma_start3A_166 = arith.constant 7 : i32
    %dma_start3A_167 = arith.constant 7 : i32
    %dma_start3A_168 = arith.constant 0 : i32
    %dma_start3A_169 = arith.constant 0 : i32
    %dma_start3A_170 = tpu.memref_slice %arg6[%dma_start3A_167, %dma_start3A_168, %dma_start3A_169] : memref<8x128x64xf32, #tpu.memory_space<vmem>> -> memref<1x128x64xf32, #tpu.memory_space<vmem>>
    %dma_start3A_171 = tpu.memref_squeeze %dma_start3A_170 : memref<1x128x64xf32, #tpu.memory_space<vmem>> -> memref<128x64xf32, #tpu.memory_space<vmem>>
    %dma_start3A_172 = arith.constant 0 : i32
    %dma_start3A_173 = tpu.memref_slice %arg5[%dma_start3A_166, %dma_start3A_172] : memref<200x128xi32, #tpu.memory_space<vmem>> -> memref<1x128xi32, #tpu.memory_space<vmem>>
    %dma_start3A_174 = tpu.memref_squeeze %dma_start3A_173 : memref<1x128xi32, #tpu.memory_space<vmem>> -> memref<128xi32, #tpu.memory_space<vmem>>
    %dma_start3A_175 = arith.constant 0 : i32
    %dma_start3A_176 = arith.constant 0 : i32
    %dma_start3A_177 = tpu.memref_slice %arg3[%dma_start3A_175, %dma_start3A_176] : memref<1000000x64xf32, #tpu.memory_space<hbm>> -> memref<1000000x64xf32, #tpu.memory_space<hbm>>
    tpu.enqueue_indirect_dma source(%dma_start3A_177 : memref<1000000x64xf32, #tpu.memory_space<hbm>>) target(%dma_start3A_171 : memref<128x64xf32, #tpu.memory_space<vmem>>) offsets(%dma_start3A_174 : memref<128xi32, #tpu.memory_space<vmem>>) semaphore(%arg14 : memref<!tpu.dma_semaphore, #tpu.memory_space<semaphore_mem>>)
    %dma_wait3A_178 = arith.constant 3 : i32
    %dma_wait3A_179 = arith.constant 3 : i32
    %dma_wait3A_180 = arith.constant 0 : i32
    %dma_wait3A_181 = arith.constant 0 : i32
    %dma_wait3A_182 = tpu.memref_slice %arg6[%dma_wait3A_179, %dma_wait3A_180, %dma_wait3A_181] : memref<8x128x64xf32, #tpu.memory_space<vmem>> -> memref<1x128x64xf32, #tpu.memory_space<vmem>>
    %dma_wait3A_183 = tpu.memref_squeeze %dma_wait3A_182 : memref<1x128x64xf32, #tpu.memory_space<vmem>> -> memref<128x64xf32, #tpu.memory_space<vmem>>
    %dma_wait3A_184 = arith.constant 0 : i32
    %dma_wait3A_185 = tpu.memref_slice %arg5[%dma_wait3A_178, %dma_wait3A_184] : memref<200x128xi32, #tpu.memory_space<vmem>> -> memref<1x128xi32, #tpu.memory_space<vmem>>
    %dma_wait3A_186 = tpu.memref_squeeze %dma_wait3A_185 : memref<1x128xi32, #tpu.memory_space<vmem>> -> memref<128xi32, #tpu.memory_space<vmem>>
    %dma_wait3A_187 = arith.constant 0 : i32
    %dma_wait3A_188 = arith.constant 0 : i32
    %dma_wait3A_189 = tpu.memref_slice %arg3[%dma_wait3A_187, %dma_wait3A_188] : memref<1000000x64xf32, #tpu.memory_space<hbm>> -> memref<1000000x64xf32, #tpu.memory_space<hbm>>
    tpu.wait_indirect_dma semaphore(%arg10 : memref<!tpu.dma_semaphore, #tpu.memory_space<semaphore_mem>>) src(%dma_wait3A_189 : memref<1000000x64xf32, #tpu.memory_space<hbm>>) dst(%dma_wait3A_183 : memref<128x64xf32, #tpu.memory_space<vmem>>)
    %add3A_190 = arith.constant 384 : i32
    %add3A_191 = arith.addi %mul3A_2, %add3A_190 : i32
    %dma_start3A_192 = arith.constant 3 : i32
    %dma_start3A_193 = arith.constant 0 : i32
    %dma_start3A_194 = arith.constant 0 : i32
    %dma_start3A_195 = tpu.memref_slice %arg6[%dma_start3A_192, %dma_start3A_193, %dma_start3A_194] : memref<8x128x64xf32, #tpu.memory_space<vmem>> -> memref<1x128x64xf32, #tpu.memory_space<vmem>>
    %dma_start3A_196 = tpu.memref_squeeze %dma_start3A_195 : memref<1x128x64xf32, #tpu.memory_space<vmem>> -> memref<128x64xf32, #tpu.memory_space<vmem>>
    %dma_start3A_197 = arith.constant 0 : i32
    %dma_start3A_198 = tpu.memref_slice %arg4[%add3A_191, %dma_start3A_197] : memref<819200x64xf32, #tpu.memory_space<hbm>> -> memref<128x64xf32, #tpu.memory_space<hbm>>
    %dma_start3A_199 = arith.constant 0 : i32
    %dma_start3A_200 = tpu.memref_slice %arg4[%add3A_191, %dma_start3A_199] : memref<819200x64xf32, #tpu.memory_space<hbm>> -> memref<128x64xf32, #tpu.memory_space<hbm>>
    %dma_start3A_201 = arith.constant 0 : i32
    %dma_start3A_202 = arith.constant 0 : i32
    %dma_start3A_203 = tpu.memref_slice %arg6[%dma_start3A_192, %dma_start3A_201, %dma_start3A_202] : memref<8x128x64xf32, #tpu.memory_space<vmem>> -> memref<1x128x64xf32, #tpu.memory_space<vmem>>
    %dma_start3A_204 = tpu.memref_squeeze %dma_start3A_203 : memref<1x128x64xf32, #tpu.memory_space<vmem>> -> memref<128x64xf32, #tpu.memory_space<vmem>>
    tpu.enqueue_dma source(%dma_start3A_204 : memref<128x64xf32, #tpu.memory_space<vmem>>) target(%dma_start3A_200 : memref<128x64xf32, #tpu.memory_space<hbm>>) target_semaphore(%arg18 : memref<!tpu.dma_semaphore, #tpu.memory_space<semaphore_mem>>)
    %scan3A = arith.constant 0 : i32
    %scan3A_205 = arith.constant 24 : i32
    %scan3A_206 = arith.addi %scan3A, %scan3A_205 : i32
    %scan3A_207 = arith.constant 1 : i32
    scf.for %scan3A_437 = %scan3A to %scan3A_206 step %scan3A_207  : i32 {
      %mul3A_438 = arith.constant 8 : i32
      %mul3A_439 = arith.muli %scan3A_437, %mul3A_438 : i32
      %add3A_440 = arith.constant 4 : i32
      %add3A_441 = arith.addi %add3A_440, %mul3A_439 : i32
      %add3A_442 = arith.constant 0 : i32
      %add3A_443 = arith.addi %add3A_441, %add3A_442 : i32
      %add3A_444 = arith.constant 4 : i32
      %add3A_445 = arith.addi %add3A_443, %add3A_444 : i32
      %sub3A = arith.constant 8 : i32
      %sub3A_446 = arith.subi %add3A_445, %sub3A : i32
      %mul3A_447 = arith.constant 128 : i32
      %mul3A_448 = arith.muli %sub3A_446, %mul3A_447 : i32
      %add3A_449 = arith.addi %mul3A_2, %mul3A_448 : i32
      %dma_wait3A_450 = arith.constant 0 : i32
      %dma_wait3A_451 = arith.constant 0 : i32
      %dma_wait3A_452 = arith.constant 0 : i32
      %dma_wait3A_453 = tpu.memref_slice %arg6[%dma_wait3A_450, %dma_wait3A_451, %dma_wait3A_452] : memref<8x128x64xf32, #tpu.memory_space<vmem>> -> memref<1x128x64xf32, #tpu.memory_space<vmem>>
      %dma_wait3A_454 = tpu.memref_squeeze %dma_wait3A_453 : memref<1x128x64xf32, #tpu.memory_space<vmem>> -> memref<128x64xf32, #tpu.memory_space<vmem>>
      %dma_wait3A_455 = arith.constant 0 : i32
      %dma_wait3A_456 = tpu.memref_slice %arg4[%add3A_449, %dma_wait3A_455] : memref<819200x64xf32, #tpu.memory_space<hbm>> -> memref<128x64xf32, #tpu.memory_space<hbm>>
      %dma_wait3A_457 = arith.constant 0 : i32
      %dma_wait3A_458 = tpu.memref_slice %arg4[%add3A_449, %dma_wait3A_457] : memref<819200x64xf32, #tpu.memory_space<hbm>> -> memref<128x64xf32, #tpu.memory_space<hbm>>
      %dma_wait3A_459 = arith.constant 0 : i32
      %dma_wait3A_460 = arith.constant 0 : i32
      %dma_wait3A_461 = tpu.memref_slice %arg6[%dma_wait3A_450, %dma_wait3A_459, %dma_wait3A_460] : memref<8x128x64xf32, #tpu.memory_space<vmem>> -> memref<1x128x64xf32, #tpu.memory_space<vmem>>
      %dma_wait3A_462 = tpu.memref_squeeze %dma_wait3A_461 : memref<1x128x64xf32, #tpu.memory_space<vmem>> -> memref<128x64xf32, #tpu.memory_space<vmem>>
      tpu.wait_dma2 semaphore(%arg15 : memref<!tpu.dma_semaphore, #tpu.memory_space<semaphore_mem>>) src(%dma_wait3A_462 : memref<128x64xf32, #tpu.memory_space<vmem>>) dst(%dma_wait3A_458 : memref<128x64xf32, #tpu.memory_space<hbm>>)
      %add3A_463 = arith.constant 4 : i32
      %add3A_464 = arith.addi %add3A_443, %add3A_463 : i32
      %dma_start3A_465 = arith.constant 0 : i32
      %dma_start3A_466 = arith.constant 0 : i32
      %dma_start3A_467 = arith.constant 0 : i32
      %dma_start3A_468 = tpu.memref_slice %arg6[%dma_start3A_465, %dma_start3A_466, %dma_start3A_467] : memref<8x128x64xf32, #tpu.memory_space<vmem>> -> memref<1x128x64xf32, #tpu.memory_space<vmem>>
      %dma_start3A_469 = tpu.memref_squeeze %dma_start3A_468 : memref<1x128x64xf32, #tpu.memory_space<vmem>> -> memref<128x64xf32, #tpu.memory_space<vmem>>
      %dma_start3A_470 = arith.constant 0 : i32
      %dma_start3A_471 = tpu.memref_slice %arg5[%add3A_464, %dma_start3A_470] : memref<200x128xi32, #tpu.memory_space<vmem>> -> memref<1x128xi32, #tpu.memory_space<vmem>>
      %dma_start3A_472 = tpu.memref_squeeze %dma_start3A_471 : memref<1x128xi32, #tpu.memory_space<vmem>> -> memref<128xi32, #tpu.memory_space<vmem>>
      %dma_start3A_473 = arith.constant 0 : i32
      %dma_start3A_474 = arith.constant 0 : i32
      %dma_start3A_475 = tpu.memref_slice %arg3[%dma_start3A_473, %dma_start3A_474] : memref<1000000x64xf32, #tpu.memory_space<hbm>> -> memref<1000000x64xf32, #tpu.memory_space<hbm>>
      tpu.enqueue_indirect_dma source(%dma_start3A_475 : memref<1000000x64xf32, #tpu.memory_space<hbm>>) target(%dma_start3A_469 : memref<128x64xf32, #tpu.memory_space<vmem>>) offsets(%dma_start3A_472 : memref<128xi32, #tpu.memory_space<vmem>>) semaphore(%arg7 : memref<!tpu.dma_semaphore, #tpu.memory_space<semaphore_mem>>)
      %dma_wait3A_476 = arith.constant 4 : i32
      %dma_wait3A_477 = arith.constant 0 : i32
      %dma_wait3A_478 = arith.constant 0 : i32
      %dma_wait3A_479 = tpu.memref_slice %arg6[%dma_wait3A_476, %dma_wait3A_477, %dma_wait3A_478] : memref<8x128x64xf32, #tpu.memory_space<vmem>> -> memref<1x128x64xf32, #tpu.memory_space<vmem>>
      %dma_wait3A_480 = tpu.memref_squeeze %dma_wait3A_479 : memref<1x128x64xf32, #tpu.memory_space<vmem>> -> memref<128x64xf32, #tpu.memory_space<vmem>>
      %dma_wait3A_481 = arith.constant 0 : i32
      %dma_wait3A_482 = tpu.memref_slice %arg5[%add3A_443, %dma_wait3A_481] : memref<200x128xi32, #tpu.memory_space<vmem>> -> memref<1x128xi32, #tpu.memory_space<vmem>>
      %dma_wait3A_483 = tpu.memref_squeeze %dma_wait3A_482 : memref<1x128xi32, #tpu.memory_space<vmem>> -> memref<128xi32, #tpu.memory_space<vmem>>
      %dma_wait3A_484 = arith.constant 0 : i32
      %dma_wait3A_485 = arith.constant 0 : i32
      %dma_wait3A_486 = tpu.memref_slice %arg3[%dma_wait3A_484, %dma_wait3A_485] : memref<1000000x64xf32, #tpu.memory_space<hbm>> -> memref<1000000x64xf32, #tpu.memory_space<hbm>>
      tpu.wait_indirect_dma semaphore(%arg11 : memref<!tpu.dma_semaphore, #tpu.memory_space<semaphore_mem>>) src(%dma_wait3A_486 : memref<1000000x64xf32, #tpu.memory_space<hbm>>) dst(%dma_wait3A_480 : memref<128x64xf32, #tpu.memory_space<vmem>>)
      %mul3A_487 = arith.constant 128 : i32
      %mul3A_488 = arith.muli %add3A_443, %mul3A_487 : i32
      %add3A_489 = arith.addi %mul3A_2, %mul3A_488 : i32
      %dma_start3A_490 = arith.constant 4 : i32
      %dma_start3A_491 = arith.constant 0 : i32
      %dma_start3A_492 = arith.constant 0 : i32
      %dma_start3A_493 = tpu.memref_slice %arg6[%dma_start3A_490, %dma_start3A_491, %dma_start3A_492] : memref<8x128x64xf32, #tpu.memory_space<vmem>> -> memref<1x128x64xf32, #tpu.memory_space<vmem>>
      %dma_start3A_494 = tpu.memref_squeeze %dma_start3A_493 : memref<1x128x64xf32, #tpu.memory_space<vmem>> -> memref<128x64xf32, #tpu.memory_space<vmem>>
      %dma_start3A_495 = arith.constant 0 : i32
      %dma_start3A_496 = tpu.memref_slice %arg4[%add3A_489, %dma_start3A_495] : memref<819200x64xf32, #tpu.memory_space<hbm>> -> memref<128x64xf32, #tpu.memory_space<hbm>>
      %dma_start3A_497 = arith.constant 0 : i32
      %dma_start3A_498 = tpu.memref_slice %arg4[%add3A_489, %dma_start3A_497] : memref<819200x64xf32, #tpu.memory_space<hbm>> -> memref<128x64xf32, #tpu.memory_space<hbm>>
      %dma_start3A_499 = arith.constant 0 : i32
      %dma_start3A_500 = arith.constant 0 : i32
      %dma_start3A_501 = tpu.memref_slice %arg6[%dma_start3A_490, %dma_start3A_499, %dma_start3A_500] : memref<8x128x64xf32, #tpu.memory_space<vmem>> -> memref<1x128x64xf32, #tpu.memory_space<vmem>>
      %dma_start3A_502 = tpu.memref_squeeze %dma_start3A_501 : memref<1x128x64xf32, #tpu.memory_space<vmem>> -> memref<128x64xf32, #tpu.memory_space<vmem>>
      tpu.enqueue_dma source(%dma_start3A_502 : memref<128x64xf32, #tpu.memory_space<vmem>>) target(%dma_start3A_498 : memref<128x64xf32, #tpu.memory_space<hbm>>) target_semaphore(%arg19 : memref<!tpu.dma_semaphore, #tpu.memory_space<semaphore_mem>>)
      %add3A_503 = arith.constant 1 : i32
      %add3A_504 = arith.addi %add3A_441, %add3A_503 : i32
      %add3A_505 = arith.constant 4 : i32
      %add3A_506 = arith.addi %add3A_504, %add3A_505 : i32
      %sub3A_507 = arith.constant 8 : i32
      %sub3A_508 = arith.subi %add3A_506, %sub3A_507 : i32
      %mul3A_509 = arith.constant 128 : i32
      %mul3A_510 = arith.muli %sub3A_508, %mul3A_509 : i32
      %add3A_511 = arith.addi %mul3A_2, %mul3A_510 : i32
      %dma_wait3A_512 = arith.constant 1 : i32
      %dma_wait3A_513 = arith.constant 0 : i32
      %dma_wait3A_514 = arith.constant 0 : i32
      %dma_wait3A_515 = tpu.memref_slice %arg6[%dma_wait3A_512, %dma_wait3A_513, %dma_wait3A_514] : memref<8x128x64xf32, #tpu.memory_space<vmem>> -> memref<1x128x64xf32, #tpu.memory_space<vmem>>
      %dma_wait3A_516 = tpu.memref_squeeze %dma_wait3A_515 : memref<1x128x64xf32, #tpu.memory_space<vmem>> -> memref<128x64xf32, #tpu.memory_space<vmem>>
      %dma_wait3A_517 = arith.constant 0 : i32
      %dma_wait3A_518 = tpu.memref_slice %arg4[%add3A_511, %dma_wait3A_517] : memref<819200x64xf32, #tpu.memory_space<hbm>> -> memref<128x64xf32, #tpu.memory_space<hbm>>
      %dma_wait3A_519 = arith.constant 0 : i32
      %dma_wait3A_520 = tpu.memref_slice %arg4[%add3A_511, %dma_wait3A_519] : memref<819200x64xf32, #tpu.memory_space<hbm>> -> memref<128x64xf32, #tpu.memory_space<hbm>>
      %dma_wait3A_521 = arith.constant 0 : i32
      %dma_wait3A_522 = arith.constant 0 : i32
      %dma_wait3A_523 = tpu.memref_slice %arg6[%dma_wait3A_512, %dma_wait3A_521, %dma_wait3A_522] : memref<8x128x64xf32, #tpu.memory_space<vmem>> -> memref<1x128x64xf32, #tpu.memory_space<vmem>>
      %dma_wait3A_524 = tpu.memref_squeeze %dma_wait3A_523 : memref<1x128x64xf32, #tpu.memory_space<vmem>> -> memref<128x64xf32, #tpu.memory_space<vmem>>
      tpu.wait_dma2 semaphore(%arg16 : memref<!tpu.dma_semaphore, #tpu.memory_space<semaphore_mem>>) src(%dma_wait3A_524 : memref<128x64xf32, #tpu.memory_space<vmem>>) dst(%dma_wait3A_520 : memref<128x64xf32, #tpu.memory_space<hbm>>)
      %add3A_525 = arith.constant 4 : i32
      %add3A_526 = arith.addi %add3A_504, %add3A_525 : i32
      %dma_start3A_527 = arith.constant 1 : i32
      %dma_start3A_528 = arith.constant 0 : i32
      %dma_start3A_529 = arith.constant 0 : i32
      %dma_start3A_530 = tpu.memref_slice %arg6[%dma_start3A_527, %dma_start3A_528, %dma_start3A_529] : memref<8x128x64xf32, #tpu.memory_space<vmem>> -> memref<1x128x64xf32, #tpu.memory_space<vmem>>
      %dma_start3A_531 = tpu.memref_squeeze %dma_start3A_530 : memref<1x128x64xf32, #tpu.memory_space<vmem>> -> memref<128x64xf32, #tpu.memory_space<vmem>>
      %dma_start3A_532 = arith.constant 0 : i32
      %dma_start3A_533 = tpu.memref_slice %arg5[%add3A_526, %dma_start3A_532] : memref<200x128xi32, #tpu.memory_space<vmem>> -> memref<1x128xi32, #tpu.memory_space<vmem>>
      %dma_start3A_534 = tpu.memref_squeeze %dma_start3A_533 : memref<1x128xi32, #tpu.memory_space<vmem>> -> memref<128xi32, #tpu.memory_space<vmem>>
      %dma_start3A_535 = arith.constant 0 : i32
      %dma_start3A_536 = arith.constant 0 : i32
      %dma_start3A_537 = tpu.memref_slice %arg3[%dma_start3A_535, %dma_start3A_536] : memref<1000000x64xf32, #tpu.memory_space<hbm>> -> memref<1000000x64xf32, #tpu.memory_space<hbm>>
      tpu.enqueue_indirect_dma source(%dma_start3A_537 : memref<1000000x64xf32, #tpu.memory_space<hbm>>) target(%dma_start3A_531 : memref<128x64xf32, #tpu.memory_space<vmem>>) offsets(%dma_start3A_534 : memref<128xi32, #tpu.memory_space<vmem>>) semaphore(%arg8 : memref<!tpu.dma_semaphore, #tpu.memory_space<semaphore_mem>>)
      %dma_wait3A_538 = arith.constant 5 : i32
      %dma_wait3A_539 = arith.constant 0 : i32
      %dma_wait3A_540 = arith.constant 0 : i32
      %dma_wait3A_541 = tpu.memref_slice %arg6[%dma_wait3A_538, %dma_wait3A_539, %dma_wait3A_540] : memref<8x128x64xf32, #tpu.memory_space<vmem>> -> memref<1x128x64xf32, #tpu.memory_space<vmem>>
      %dma_wait3A_542 = tpu.memref_squeeze %dma_wait3A_541 : memref<1x128x64xf32, #tpu.memory_space<vmem>> -> memref<128x64xf32, #tpu.memory_space<vmem>>
      %dma_wait3A_543 = arith.constant 0 : i32
      %dma_wait3A_544 = tpu.memref_slice %arg5[%add3A_504, %dma_wait3A_543] : memref<200x128xi32, #tpu.memory_space<vmem>> -> memref<1x128xi32, #tpu.memory_space<vmem>>
      %dma_wait3A_545 = tpu.memref_squeeze %dma_wait3A_544 : memref<1x128xi32, #tpu.memory_space<vmem>> -> memref<128xi32, #tpu.memory_space<vmem>>
      %dma_wait3A_546 = arith.constant 0 : i32
      %dma_wait3A_547 = arith.constant 0 : i32
      %dma_wait3A_548 = tpu.memref_slice %arg3[%dma_wait3A_546, %dma_wait3A_547] : memref<1000000x64xf32, #tpu.memory_space<hbm>> -> memref<1000000x64xf32, #tpu.memory_space<hbm>>
      tpu.wait_indirect_dma semaphore(%arg12 : memref<!tpu.dma_semaphore, #tpu.memory_space<semaphore_mem>>) src(%dma_wait3A_548 : memref<1000000x64xf32, #tpu.memory_space<hbm>>) dst(%dma_wait3A_542 : memref<128x64xf32, #tpu.memory_space<vmem>>)
      %mul3A_549 = arith.constant 128 : i32
      %mul3A_550 = arith.muli %add3A_504, %mul3A_549 : i32
      %add3A_551 = arith.addi %mul3A_2, %mul3A_550 : i32
      %dma_start3A_552 = arith.constant 5 : i32
      %dma_start3A_553 = arith.constant 0 : i32
      %dma_start3A_554 = arith.constant 0 : i32
      %dma_start3A_555 = tpu.memref_slice %arg6[%dma_start3A_552, %dma_start3A_553, %dma_start3A_554] : memref<8x128x64xf32, #tpu.memory_space<vmem>> -> memref<1x128x64xf32, #tpu.memory_space<vmem>>
      %dma_start3A_556 = tpu.memref_squeeze %dma_start3A_555 : memref<1x128x64xf32, #tpu.memory_space<vmem>> -> memref<128x64xf32, #tpu.memory_space<vmem>>
      %dma_start3A_557 = arith.constant 0 : i32
      %dma_start3A_558 = tpu.memref_slice %arg4[%add3A_551, %dma_start3A_557] : memref<819200x64xf32, #tpu.memory_space<hbm>> -> memref<128x64xf32, #tpu.memory_space<hbm>>
      %dma_start3A_559 = arith.constant 0 : i32
      %dma_start3A_560 = tpu.memref_slice %arg4[%add3A_551, %dma_start3A_559] : memref<819200x64xf32, #tpu.memory_space<hbm>> -> memref<128x64xf32, #tpu.memory_space<hbm>>
      %dma_start3A_561 = arith.constant 0 : i32
      %dma_start3A_562 = arith.constant 0 : i32
      %dma_start3A_563 = tpu.memref_slice %arg6[%dma_start3A_552, %dma_start3A_561, %dma_start3A_562] : memref<8x128x64xf32, #tpu.memory_space<vmem>> -> memref<1x128x64xf32, #tpu.memory_space<vmem>>
      %dma_start3A_564 = tpu.memref_squeeze %dma_start3A_563 : memref<1x128x64xf32, #tpu.memory_space<vmem>> -> memref<128x64xf32, #tpu.memory_space<vmem>>
      tpu.enqueue_dma source(%dma_start3A_564 : memref<128x64xf32, #tpu.memory_space<vmem>>) target(%dma_start3A_560 : memref<128x64xf32, #tpu.memory_space<hbm>>) target_semaphore(%arg20 : memref<!tpu.dma_semaphore, #tpu.memory_space<semaphore_mem>>)
      %add3A_565 = arith.constant 2 : i32
      %add3A_566 = arith.addi %add3A_441, %add3A_565 : i32
      %add3A_567 = arith.constant 4 : i32
      %add3A_568 = arith.addi %add3A_566, %add3A_567 : i32
      %sub3A_569 = arith.constant 8 : i32
      %sub3A_570 = arith.subi %add3A_568, %sub3A_569 : i32
      %mul3A_571 = arith.constant 128 : i32
      %mul3A_572 = arith.muli %sub3A_570, %mul3A_571 : i32
      %add3A_573 = arith.addi %mul3A_2, %mul3A_572 : i32
      %dma_wait3A_574 = arith.constant 2 : i32
      %dma_wait3A_575 = arith.constant 0 : i32
      %dma_wait3A_576 = arith.constant 0 : i32
      %dma_wait3A_577 = tpu.memref_slice %arg6[%dma_wait3A_574, %dma_wait3A_575, %dma_wait3A_576] : memref<8x128x64xf32, #tpu.memory_space<vmem>> -> memref<1x128x64xf32, #tpu.memory_space<vmem>>
      %dma_wait3A_578 = tpu.memref_squeeze %dma_wait3A_577 : memref<1x128x64xf32, #tpu.memory_space<vmem>> -> memref<128x64xf32, #tpu.memory_space<vmem>>
      %dma_wait3A_579 = arith.constant 0 : i32
      %dma_wait3A_580 = tpu.memref_slice %arg4[%add3A_573, %dma_wait3A_579] : memref<819200x64xf32, #tpu.memory_space<hbm>> -> memref<128x64xf32, #tpu.memory_space<hbm>>
      %dma_wait3A_581 = arith.constant 0 : i32
      %dma_wait3A_582 = tpu.memref_slice %arg4[%add3A_573, %dma_wait3A_581] : memref<819200x64xf32, #tpu.memory_space<hbm>> -> memref<128x64xf32, #tpu.memory_space<hbm>>
      %dma_wait3A_583 = arith.constant 0 : i32
      %dma_wait3A_584 = arith.constant 0 : i32
      %dma_wait3A_585 = tpu.memref_slice %arg6[%dma_wait3A_574, %dma_wait3A_583, %dma_wait3A_584] : memref<8x128x64xf32, #tpu.memory_space<vmem>> -> memref<1x128x64xf32, #tpu.memory_space<vmem>>
      %dma_wait3A_586 = tpu.memref_squeeze %dma_wait3A_585 : memref<1x128x64xf32, #tpu.memory_space<vmem>> -> memref<128x64xf32, #tpu.memory_space<vmem>>
      tpu.wait_dma2 semaphore(%arg17 : memref<!tpu.dma_semaphore, #tpu.memory_space<semaphore_mem>>) src(%dma_wait3A_586 : memref<128x64xf32, #tpu.memory_space<vmem>>) dst(%dma_wait3A_582 : memref<128x64xf32, #tpu.memory_space<hbm>>)
      %add3A_587 = arith.constant 4 : i32
      %add3A_588 = arith.addi %add3A_566, %add3A_587 : i32
      %dma_start3A_589 = arith.constant 2 : i32
      %dma_start3A_590 = arith.constant 0 : i32
      %dma_start3A_591 = arith.constant 0 : i32
      %dma_start3A_592 = tpu.memref_slice %arg6[%dma_start3A_589, %dma_start3A_590, %dma_start3A_591] : memref<8x128x64xf32, #tpu.memory_space<vmem>> -> memref<1x128x64xf32, #tpu.memory_space<vmem>>
      %dma_start3A_593 = tpu.memref_squeeze %dma_start3A_592 : memref<1x128x64xf32, #tpu.memory_space<vmem>> -> memref<128x64xf32, #tpu.memory_space<vmem>>
      %dma_start3A_594 = arith.constant 0 : i32
      %dma_start3A_595 = tpu.memref_slice %arg5[%add3A_588, %dma_start3A_594] : memref<200x128xi32, #tpu.memory_space<vmem>> -> memref<1x128xi32, #tpu.memory_space<vmem>>
      %dma_start3A_596 = tpu.memref_squeeze %dma_start3A_595 : memref<1x128xi32, #tpu.memory_space<vmem>> -> memref<128xi32, #tpu.memory_space<vmem>>
      %dma_start3A_597 = arith.constant 0 : i32
      %dma_start3A_598 = arith.constant 0 : i32
      %dma_start3A_599 = tpu.memref_slice %arg3[%dma_start3A_597, %dma_start3A_598] : memref<1000000x64xf32, #tpu.memory_space<hbm>> -> memref<1000000x64xf32, #tpu.memory_space<hbm>>
      tpu.enqueue_indirect_dma source(%dma_start3A_599 : memref<1000000x64xf32, #tpu.memory_space<hbm>>) target(%dma_start3A_593 : memref<128x64xf32, #tpu.memory_space<vmem>>) offsets(%dma_start3A_596 : memref<128xi32, #tpu.memory_space<vmem>>) semaphore(%arg9 : memref<!tpu.dma_semaphore, #tpu.memory_space<semaphore_mem>>)
      %dma_wait3A_600 = arith.constant 6 : i32
      %dma_wait3A_601 = arith.constant 0 : i32
      %dma_wait3A_602 = arith.constant 0 : i32
      %dma_wait3A_603 = tpu.memref_slice %arg6[%dma_wait3A_600, %dma_wait3A_601, %dma_wait3A_602] : memref<8x128x64xf32, #tpu.memory_space<vmem>> -> memref<1x128x64xf32, #tpu.memory_space<vmem>>
      %dma_wait3A_604 = tpu.memref_squeeze %dma_wait3A_603 : memref<1x128x64xf32, #tpu.memory_space<vmem>> -> memref<128x64xf32, #tpu.memory_space<vmem>>
      %dma_wait3A_605 = arith.constant 0 : i32
      %dma_wait3A_606 = tpu.memref_slice %arg5[%add3A_566, %dma_wait3A_605] : memref<200x128xi32, #tpu.memory_space<vmem>> -> memref<1x128xi32, #tpu.memory_space<vmem>>
      %dma_wait3A_607 = tpu.memref_squeeze %dma_wait3A_606 : memref<1x128xi32, #tpu.memory_space<vmem>> -> memref<128xi32, #tpu.memory_space<vmem>>
      %dma_wait3A_608 = arith.constant 0 : i32
      %dma_wait3A_609 = arith.constant 0 : i32
      %dma_wait3A_610 = tpu.memref_slice %arg3[%dma_wait3A_608, %dma_wait3A_609] : memref<1000000x64xf32, #tpu.memory_space<hbm>> -> memref<1000000x64xf32, #tpu.memory_space<hbm>>
      tpu.wait_indirect_dma semaphore(%arg13 : memref<!tpu.dma_semaphore, #tpu.memory_space<semaphore_mem>>) src(%dma_wait3A_610 : memref<1000000x64xf32, #tpu.memory_space<hbm>>) dst(%dma_wait3A_604 : memref<128x64xf32, #tpu.memory_space<vmem>>)
      %mul3A_611 = arith.constant 128 : i32
      %mul3A_612 = arith.muli %add3A_566, %mul3A_611 : i32
      %add3A_613 = arith.addi %mul3A_2, %mul3A_612 : i32
      %dma_start3A_614 = arith.constant 6 : i32
      %dma_start3A_615 = arith.constant 0 : i32
      %dma_start3A_616 = arith.constant 0 : i32
      %dma_start3A_617 = tpu.memref_slice %arg6[%dma_start3A_614, %dma_start3A_615, %dma_start3A_616] : memref<8x128x64xf32, #tpu.memory_space<vmem>> -> memref<1x128x64xf32, #tpu.memory_space<vmem>>
      %dma_start3A_618 = tpu.memref_squeeze %dma_start3A_617 : memref<1x128x64xf32, #tpu.memory_space<vmem>> -> memref<128x64xf32, #tpu.memory_space<vmem>>
      %dma_start3A_619 = arith.constant 0 : i32
      %dma_start3A_620 = tpu.memref_slice %arg4[%add3A_613, %dma_start3A_619] : memref<819200x64xf32, #tpu.memory_space<hbm>> -> memref<128x64xf32, #tpu.memory_space<hbm>>
      %dma_start3A_621 = arith.constant 0 : i32
      %dma_start3A_622 = tpu.memref_slice %arg4[%add3A_613, %dma_start3A_621] : memref<819200x64xf32, #tpu.memory_space<hbm>> -> memref<128x64xf32, #tpu.memory_space<hbm>>
      %dma_start3A_623 = arith.constant 0 : i32
      %dma_start3A_624 = arith.constant 0 : i32
      %dma_start3A_625 = tpu.memref_slice %arg6[%dma_start3A_614, %dma_start3A_623, %dma_start3A_624] : memref<8x128x64xf32, #tpu.memory_space<vmem>> -> memref<1x128x64xf32, #tpu.memory_space<vmem>>
      %dma_start3A_626 = tpu.memref_squeeze %dma_start3A_625 : memref<1x128x64xf32, #tpu.memory_space<vmem>> -> memref<128x64xf32, #tpu.memory_space<vmem>>
      tpu.enqueue_dma source(%dma_start3A_626 : memref<128x64xf32, #tpu.memory_space<vmem>>) target(%dma_start3A_622 : memref<128x64xf32, #tpu.memory_space<hbm>>) target_semaphore(%arg21 : memref<!tpu.dma_semaphore, #tpu.memory_space<semaphore_mem>>)
      %add3A_627 = arith.constant 3 : i32
      %add3A_628 = arith.addi %add3A_441, %add3A_627 : i32
      %add3A_629 = arith.constant 4 : i32
      %add3A_630 = arith.addi %add3A_628, %add3A_629 : i32
      %sub3A_631 = arith.constant 8 : i32
      %sub3A_632 = arith.subi %add3A_630, %sub3A_631 : i32
      %mul3A_633 = arith.constant 128 : i32
      %mul3A_634 = arith.muli %sub3A_632, %mul3A_633 : i32
      %add3A_635 = arith.addi %mul3A_2, %mul3A_634 : i32
      %dma_wait3A_636 = arith.constant 3 : i32
      %dma_wait3A_637 = arith.constant 0 : i32
      %dma_wait3A_638 = arith.constant 0 : i32
      %dma_wait3A_639 = tpu.memref_slice %arg6[%dma_wait3A_636, %dma_wait3A_637, %dma_wait3A_638] : memref<8x128x64xf32, #tpu.memory_space<vmem>> -> memref<1x128x64xf32, #tpu.memory_space<vmem>>
      %dma_wait3A_640 = tpu.memref_squeeze %dma_wait3A_639 : memref<1x128x64xf32, #tpu.memory_space<vmem>> -> memref<128x64xf32, #tpu.memory_space<vmem>>
      %dma_wait3A_641 = arith.constant 0 : i32
      %dma_wait3A_642 = tpu.memref_slice %arg4[%add3A_635, %dma_wait3A_641] : memref<819200x64xf32, #tpu.memory_space<hbm>> -> memref<128x64xf32, #tpu.memory_space<hbm>>
      %dma_wait3A_643 = arith.constant 0 : i32
      %dma_wait3A_644 = tpu.memref_slice %arg4[%add3A_635, %dma_wait3A_643] : memref<819200x64xf32, #tpu.memory_space<hbm>> -> memref<128x64xf32, #tpu.memory_space<hbm>>
      %dma_wait3A_645 = arith.constant 0 : i32
      %dma_wait3A_646 = arith.constant 0 : i32
      %dma_wait3A_647 = tpu.memref_slice %arg6[%dma_wait3A_636, %dma_wait3A_645, %dma_wait3A_646] : memref<8x128x64xf32, #tpu.memory_space<vmem>> -> memref<1x128x64xf32, #tpu.memory_space<vmem>>
      %dma_wait3A_648 = tpu.memref_squeeze %dma_wait3A_647 : memref<1x128x64xf32, #tpu.memory_space<vmem>> -> memref<128x64xf32, #tpu.memory_space<vmem>>
      tpu.wait_dma2 semaphore(%arg18 : memref<!tpu.dma_semaphore, #tpu.memory_space<semaphore_mem>>) src(%dma_wait3A_648 : memref<128x64xf32, #tpu.memory_space<vmem>>) dst(%dma_wait3A_644 : memref<128x64xf32, #tpu.memory_space<hbm>>)
      %add3A_649 = arith.constant 4 : i32
      %add3A_650 = arith.addi %add3A_628, %add3A_649 : i32
      %dma_start3A_651 = arith.constant 3 : i32
      %dma_start3A_652 = arith.constant 0 : i32
      %dma_start3A_653 = arith.constant 0 : i32
      %dma_start3A_654 = tpu.memref_slice %arg6[%dma_start3A_651, %dma_start3A_652, %dma_start3A_653] : memref<8x128x64xf32, #tpu.memory_space<vmem>> -> memref<1x128x64xf32, #tpu.memory_space<vmem>>
      %dma_start3A_655 = tpu.memref_squeeze %dma_start3A_654 : memref<1x128x64xf32, #tpu.memory_space<vmem>> -> memref<128x64xf32, #tpu.memory_space<vmem>>
      %dma_start3A_656 = arith.constant 0 : i32
      %dma_start3A_657 = tpu.memref_slice %arg5[%add3A_650, %dma_start3A_656] : memref<200x128xi32, #tpu.memory_space<vmem>> -> memref<1x128xi32, #tpu.memory_space<vmem>>
      %dma_start3A_658 = tpu.memref_squeeze %dma_start3A_657 : memref<1x128xi32, #tpu.memory_space<vmem>> -> memref<128xi32, #tpu.memory_space<vmem>>
      %dma_start3A_659 = arith.constant 0 : i32
      %dma_start3A_660 = arith.constant 0 : i32
      %dma_start3A_661 = tpu.memref_slice %arg3[%dma_start3A_659, %dma_start3A_660] : memref<1000000x64xf32, #tpu.memory_space<hbm>> -> memref<1000000x64xf32, #tpu.memory_space<hbm>>
      tpu.enqueue_indirect_dma source(%dma_start3A_661 : memref<1000000x64xf32, #tpu.memory_space<hbm>>) target(%dma_start3A_655 : memref<128x64xf32, #tpu.memory_space<vmem>>) offsets(%dma_start3A_658 : memref<128xi32, #tpu.memory_space<vmem>>) semaphore(%arg10 : memref<!tpu.dma_semaphore, #tpu.memory_space<semaphore_mem>>)
      %dma_wait3A_662 = arith.constant 7 : i32
      %dma_wait3A_663 = arith.constant 0 : i32
      %dma_wait3A_664 = arith.constant 0 : i32
      %dma_wait3A_665 = tpu.memref_slice %arg6[%dma_wait3A_662, %dma_wait3A_663, %dma_wait3A_664] : memref<8x128x64xf32, #tpu.memory_space<vmem>> -> memref<1x128x64xf32, #tpu.memory_space<vmem>>
      %dma_wait3A_666 = tpu.memref_squeeze %dma_wait3A_665 : memref<1x128x64xf32, #tpu.memory_space<vmem>> -> memref<128x64xf32, #tpu.memory_space<vmem>>
      %dma_wait3A_667 = arith.constant 0 : i32
      %dma_wait3A_668 = tpu.memref_slice %arg5[%add3A_628, %dma_wait3A_667] : memref<200x128xi32, #tpu.memory_space<vmem>> -> memref<1x128xi32, #tpu.memory_space<vmem>>
      %dma_wait3A_669 = tpu.memref_squeeze %dma_wait3A_668 : memref<1x128xi32, #tpu.memory_space<vmem>> -> memref<128xi32, #tpu.memory_space<vmem>>
      %dma_wait3A_670 = arith.constant 0 : i32
      %dma_wait3A_671 = arith.constant 0 : i32
      %dma_wait3A_672 = tpu.memref_slice %arg3[%dma_wait3A_670, %dma_wait3A_671] : memref<1000000x64xf32, #tpu.memory_space<hbm>> -> memref<1000000x64xf32, #tpu.memory_space<hbm>>
      tpu.wait_indirect_dma semaphore(%arg14 : memref<!tpu.dma_semaphore, #tpu.memory_space<semaphore_mem>>) src(%dma_wait3A_672 : memref<1000000x64xf32, #tpu.memory_space<hbm>>) dst(%dma_wait3A_666 : memref<128x64xf32, #tpu.memory_space<vmem>>)
      %mul3A_673 = arith.constant 128 : i32
      %mul3A_674 = arith.muli %add3A_628, %mul3A_673 : i32
      %add3A_675 = arith.addi %mul3A_2, %mul3A_674 : i32
      %dma_start3A_676 = arith.constant 7 : i32
      %dma_start3A_677 = arith.constant 0 : i32
      %dma_start3A_678 = arith.constant 0 : i32
      %dma_start3A_679 = tpu.memref_slice %arg6[%dma_start3A_676, %dma_start3A_677, %dma_start3A_678] : memref<8x128x64xf32, #tpu.memory_space<vmem>> -> memref<1x128x64xf32, #tpu.memory_space<vmem>>
      %dma_start3A_680 = tpu.memref_squeeze %dma_start3A_679 : memref<1x128x64xf32, #tpu.memory_space<vmem>> -> memref<128x64xf32, #tpu.memory_space<vmem>>
      %dma_start3A_681 = arith.constant 0 : i32
      %dma_start3A_682 = tpu.memref_slice %arg4[%add3A_675, %dma_start3A_681] : memref<819200x64xf32, #tpu.memory_space<hbm>> -> memref<128x64xf32, #tpu.memory_space<hbm>>
      %dma_start3A_683 = arith.constant 0 : i32
      %dma_start3A_684 = tpu.memref_slice %arg4[%add3A_675, %dma_start3A_683] : memref<819200x64xf32, #tpu.memory_space<hbm>> -> memref<128x64xf32, #tpu.memory_space<hbm>>
      %dma_start3A_685 = arith.constant 0 : i32
      %dma_start3A_686 = arith.constant 0 : i32
      %dma_start3A_687 = tpu.memref_slice %arg6[%dma_start3A_676, %dma_start3A_685, %dma_start3A_686] : memref<8x128x64xf32, #tpu.memory_space<vmem>> -> memref<1x128x64xf32, #tpu.memory_space<vmem>>
      %dma_start3A_688 = tpu.memref_squeeze %dma_start3A_687 : memref<1x128x64xf32, #tpu.memory_space<vmem>> -> memref<128x64xf32, #tpu.memory_space<vmem>>
      tpu.enqueue_dma source(%dma_start3A_688 : memref<128x64xf32, #tpu.memory_space<vmem>>) target(%dma_start3A_684 : memref<128x64xf32, #tpu.memory_space<hbm>>) target_semaphore(%arg22 : memref<!tpu.dma_semaphore, #tpu.memory_space<semaphore_mem>>)
      %add3A_689 = arith.constant 4 : i32
      %add3A_690 = arith.addi %add3A_441, %add3A_689 : i32
      %add3A_691 = arith.constant 4 : i32
      %add3A_692 = arith.addi %add3A_690, %add3A_691 : i32
      %sub3A_693 = arith.constant 8 : i32
      %sub3A_694 = arith.subi %add3A_692, %sub3A_693 : i32
      %mul3A_695 = arith.constant 128 : i32
      %mul3A_696 = arith.muli %sub3A_694, %mul3A_695 : i32
      %add3A_697 = arith.addi %mul3A_2, %mul3A_696 : i32
      %dma_wait3A_698 = arith.constant 4 : i32
      %dma_wait3A_699 = arith.constant 0 : i32
      %dma_wait3A_700 = arith.constant 0 : i32
      %dma_wait3A_701 = tpu.memref_slice %arg6[%dma_wait3A_698, %dma_wait3A_699, %dma_wait3A_700] : memref<8x128x64xf32, #tpu.memory_space<vmem>> -> memref<1x128x64xf32, #tpu.memory_space<vmem>>
      %dma_wait3A_702 = tpu.memref_squeeze %dma_wait3A_701 : memref<1x128x64xf32, #tpu.memory_space<vmem>> -> memref<128x64xf32, #tpu.memory_space<vmem>>
      %dma_wait3A_703 = arith.constant 0 : i32
      %dma_wait3A_704 = tpu.memref_slice %arg4[%add3A_697, %dma_wait3A_703] : memref<819200x64xf32, #tpu.memory_space<hbm>> -> memref<128x64xf32, #tpu.memory_space<hbm>>
      %dma_wait3A_705 = arith.constant 0 : i32
      %dma_wait3A_706 = tpu.memref_slice %arg4[%add3A_697, %dma_wait3A_705] : memref<819200x64xf32, #tpu.memory_space<hbm>> -> memref<128x64xf32, #tpu.memory_space<hbm>>
      %dma_wait3A_707 = arith.constant 0 : i32
      %dma_wait3A_708 = arith.constant 0 : i32
      %dma_wait3A_709 = tpu.memref_slice %arg6[%dma_wait3A_698, %dma_wait3A_707, %dma_wait3A_708] : memref<8x128x64xf32, #tpu.memory_space<vmem>> -> memref<1x128x64xf32, #tpu.memory_space<vmem>>
      %dma_wait3A_710 = tpu.memref_squeeze %dma_wait3A_709 : memref<1x128x64xf32, #tpu.memory_space<vmem>> -> memref<128x64xf32, #tpu.memory_space<vmem>>
      tpu.wait_dma2 semaphore(%arg19 : memref<!tpu.dma_semaphore, #tpu.memory_space<semaphore_mem>>) src(%dma_wait3A_710 : memref<128x64xf32, #tpu.memory_space<vmem>>) dst(%dma_wait3A_706 : memref<128x64xf32, #tpu.memory_space<hbm>>)
      %add3A_711 = arith.constant 4 : i32
      %add3A_712 = arith.addi %add3A_690, %add3A_711 : i32
      %dma_start3A_713 = arith.constant 4 : i32
      %dma_start3A_714 = arith.constant 0 : i32
      %dma_start3A_715 = arith.constant 0 : i32
      %dma_start3A_716 = tpu.memref_slice %arg6[%dma_start3A_713, %dma_start3A_714, %dma_start3A_715] : memref<8x128x64xf32, #tpu.memory_space<vmem>> -> memref<1x128x64xf32, #tpu.memory_space<vmem>>
      %dma_start3A_717 = tpu.memref_squeeze %dma_start3A_716 : memref<1x128x64xf32, #tpu.memory_space<vmem>> -> memref<128x64xf32, #tpu.memory_space<vmem>>
      %dma_start3A_718 = arith.constant 0 : i32
      %dma_start3A_719 = tpu.memref_slice %arg5[%add3A_712, %dma_start3A_718] : memref<200x128xi32, #tpu.memory_space<vmem>> -> memref<1x128xi32, #tpu.memory_space<vmem>>
      %dma_start3A_720 = tpu.memref_squeeze %dma_start3A_719 : memref<1x128xi32, #tpu.memory_space<vmem>> -> memref<128xi32, #tpu.memory_space<vmem>>
      %dma_start3A_721 = arith.constant 0 : i32
      %dma_start3A_722 = arith.constant 0 : i32
      %dma_start3A_723 = tpu.memref_slice %arg3[%dma_start3A_721, %dma_start3A_722] : memref<1000000x64xf32, #tpu.memory_space<hbm>> -> memref<1000000x64xf32, #tpu.memory_space<hbm>>
      tpu.enqueue_indirect_dma source(%dma_start3A_723 : memref<1000000x64xf32, #tpu.memory_space<hbm>>) target(%dma_start3A_717 : memref<128x64xf32, #tpu.memory_space<vmem>>) offsets(%dma_start3A_720 : memref<128xi32, #tpu.memory_space<vmem>>) semaphore(%arg11 : memref<!tpu.dma_semaphore, #tpu.memory_space<semaphore_mem>>)
      %dma_wait3A_724 = arith.constant 0 : i32
      %dma_wait3A_725 = arith.constant 0 : i32
      %dma_wait3A_726 = arith.constant 0 : i32
      %dma_wait3A_727 = tpu.memref_slice %arg6[%dma_wait3A_724, %dma_wait3A_725, %dma_wait3A_726] : memref<8x128x64xf32, #tpu.memory_space<vmem>> -> memref<1x128x64xf32, #tpu.memory_space<vmem>>
      %dma_wait3A_728 = tpu.memref_squeeze %dma_wait3A_727 : memref<1x128x64xf32, #tpu.memory_space<vmem>> -> memref<128x64xf32, #tpu.memory_space<vmem>>
      %dma_wait3A_729 = arith.constant 0 : i32
      %dma_wait3A_730 = tpu.memref_slice %arg5[%add3A_690, %dma_wait3A_729] : memref<200x128xi32, #tpu.memory_space<vmem>> -> memref<1x128xi32, #tpu.memory_space<vmem>>
      %dma_wait3A_731 = tpu.memref_squeeze %dma_wait3A_730 : memref<1x128xi32, #tpu.memory_space<vmem>> -> memref<128xi32, #tpu.memory_space<vmem>>
      %dma_wait3A_732 = arith.constant 0 : i32
      %dma_wait3A_733 = arith.constant 0 : i32
      %dma_wait3A_734 = tpu.memref_slice %arg3[%dma_wait3A_732, %dma_wait3A_733] : memref<1000000x64xf32, #tpu.memory_space<hbm>> -> memref<1000000x64xf32, #tpu.memory_space<hbm>>
      tpu.wait_indirect_dma semaphore(%arg7 : memref<!tpu.dma_semaphore, #tpu.memory_space<semaphore_mem>>) src(%dma_wait3A_734 : memref<1000000x64xf32, #tpu.memory_space<hbm>>) dst(%dma_wait3A_728 : memref<128x64xf32, #tpu.memory_space<vmem>>)
      %mul3A_735 = arith.constant 128 : i32
      %mul3A_736 = arith.muli %add3A_690, %mul3A_735 : i32
      %add3A_737 = arith.addi %mul3A_2, %mul3A_736 : i32
      %dma_start3A_738 = arith.constant 0 : i32
      %dma_start3A_739 = arith.constant 0 : i32
      %dma_start3A_740 = arith.constant 0 : i32
      %dma_start3A_741 = tpu.memref_slice %arg6[%dma_start3A_738, %dma_start3A_739, %dma_start3A_740] : memref<8x128x64xf32, #tpu.memory_space<vmem>> -> memref<1x128x64xf32, #tpu.memory_space<vmem>>
      %dma_start3A_742 = tpu.memref_squeeze %dma_start3A_741 : memref<1x128x64xf32, #tpu.memory_space<vmem>> -> memref<128x64xf32, #tpu.memory_space<vmem>>
      %dma_start3A_743 = arith.constant 0 : i32
      %dma_start3A_744 = tpu.memref_slice %arg4[%add3A_737, %dma_start3A_743] : memref<819200x64xf32, #tpu.memory_space<hbm>> -> memref<128x64xf32, #tpu.memory_space<hbm>>
      %dma_start3A_745 = arith.constant 0 : i32
      %dma_start3A_746 = tpu.memref_slice %arg4[%add3A_737, %dma_start3A_745] : memref<819200x64xf32, #tpu.memory_space<hbm>> -> memref<128x64xf32, #tpu.memory_space<hbm>>
      %dma_start3A_747 = arith.constant 0 : i32
      %dma_start3A_748 = arith.constant 0 : i32
      %dma_start3A_749 = tpu.memref_slice %arg6[%dma_start3A_738, %dma_start3A_747, %dma_start3A_748] : memref<8x128x64xf32, #tpu.memory_space<vmem>> -> memref<1x128x64xf32, #tpu.memory_space<vmem>>
      %dma_start3A_750 = tpu.memref_squeeze %dma_start3A_749 : memref<1x128x64xf32, #tpu.memory_space<vmem>> -> memref<128x64xf32, #tpu.memory_space<vmem>>
      tpu.enqueue_dma source(%dma_start3A_750 : memref<128x64xf32, #tpu.memory_space<vmem>>) target(%dma_start3A_746 : memref<128x64xf32, #tpu.memory_space<hbm>>) target_semaphore(%arg15 : memref<!tpu.dma_semaphore, #tpu.memory_space<semaphore_mem>>)
      %add3A_751 = arith.constant 5 : i32
      %add3A_752 = arith.addi %add3A_441, %add3A_751 : i32
      %add3A_753 = arith.constant 4 : i32
      %add3A_754 = arith.addi %add3A_752, %add3A_753 : i32
      %sub3A_755 = arith.constant 8 : i32
      %sub3A_756 = arith.subi %add3A_754, %sub3A_755 : i32
      %mul3A_757 = arith.constant 128 : i32
      %mul3A_758 = arith.muli %sub3A_756, %mul3A_757 : i32
      %add3A_759 = arith.addi %mul3A_2, %mul3A_758 : i32
      %dma_wait3A_760 = arith.constant 5 : i32
      %dma_wait3A_761 = arith.constant 0 : i32
      %dma_wait3A_762 = arith.constant 0 : i32
      %dma_wait3A_763 = tpu.memref_slice %arg6[%dma_wait3A_760, %dma_wait3A_761, %dma_wait3A_762] : memref<8x128x64xf32, #tpu.memory_space<vmem>> -> memref<1x128x64xf32, #tpu.memory_space<vmem>>
      %dma_wait3A_764 = tpu.memref_squeeze %dma_wait3A_763 : memref<1x128x64xf32, #tpu.memory_space<vmem>> -> memref<128x64xf32, #tpu.memory_space<vmem>>
      %dma_wait3A_765 = arith.constant 0 : i32
      %dma_wait3A_766 = tpu.memref_slice %arg4[%add3A_759, %dma_wait3A_765] : memref<819200x64xf32, #tpu.memory_space<hbm>> -> memref<128x64xf32, #tpu.memory_space<hbm>>
      %dma_wait3A_767 = arith.constant 0 : i32
      %dma_wait3A_768 = tpu.memref_slice %arg4[%add3A_759, %dma_wait3A_767] : memref<819200x64xf32, #tpu.memory_space<hbm>> -> memref<128x64xf32, #tpu.memory_space<hbm>>
      %dma_wait3A_769 = arith.constant 0 : i32
      %dma_wait3A_770 = arith.constant 0 : i32
      %dma_wait3A_771 = tpu.memref_slice %arg6[%dma_wait3A_760, %dma_wait3A_769, %dma_wait3A_770] : memref<8x128x64xf32, #tpu.memory_space<vmem>> -> memref<1x128x64xf32, #tpu.memory_space<vmem>>
      %dma_wait3A_772 = tpu.memref_squeeze %dma_wait3A_771 : memref<1x128x64xf32, #tpu.memory_space<vmem>> -> memref<128x64xf32, #tpu.memory_space<vmem>>
      tpu.wait_dma2 semaphore(%arg20 : memref<!tpu.dma_semaphore, #tpu.memory_space<semaphore_mem>>) src(%dma_wait3A_772 : memref<128x64xf32, #tpu.memory_space<vmem>>) dst(%dma_wait3A_768 : memref<128x64xf32, #tpu.memory_space<hbm>>)
      %add3A_773 = arith.constant 4 : i32
      %add3A_774 = arith.addi %add3A_752, %add3A_773 : i32
      %dma_start3A_775 = arith.constant 5 : i32
      %dma_start3A_776 = arith.constant 0 : i32
      %dma_start3A_777 = arith.constant 0 : i32
      %dma_start3A_778 = tpu.memref_slice %arg6[%dma_start3A_775, %dma_start3A_776, %dma_start3A_777] : memref<8x128x64xf32, #tpu.memory_space<vmem>> -> memref<1x128x64xf32, #tpu.memory_space<vmem>>
      %dma_start3A_779 = tpu.memref_squeeze %dma_start3A_778 : memref<1x128x64xf32, #tpu.memory_space<vmem>> -> memref<128x64xf32, #tpu.memory_space<vmem>>
      %dma_start3A_780 = arith.constant 0 : i32
      %dma_start3A_781 = tpu.memref_slice %arg5[%add3A_774, %dma_start3A_780] : memref<200x128xi32, #tpu.memory_space<vmem>> -> memref<1x128xi32, #tpu.memory_space<vmem>>
      %dma_start3A_782 = tpu.memref_squeeze %dma_start3A_781 : memref<1x128xi32, #tpu.memory_space<vmem>> -> memref<128xi32, #tpu.memory_space<vmem>>
      %dma_start3A_783 = arith.constant 0 : i32
      %dma_start3A_784 = arith.constant 0 : i32
      %dma_start3A_785 = tpu.memref_slice %arg3[%dma_start3A_783, %dma_start3A_784] : memref<1000000x64xf32, #tpu.memory_space<hbm>> -> memref<1000000x64xf32, #tpu.memory_space<hbm>>
      tpu.enqueue_indirect_dma source(%dma_start3A_785 : memref<1000000x64xf32, #tpu.memory_space<hbm>>) target(%dma_start3A_779 : memref<128x64xf32, #tpu.memory_space<vmem>>) offsets(%dma_start3A_782 : memref<128xi32, #tpu.memory_space<vmem>>) semaphore(%arg12 : memref<!tpu.dma_semaphore, #tpu.memory_space<semaphore_mem>>)
      %dma_wait3A_786 = arith.constant 1 : i32
      %dma_wait3A_787 = arith.constant 0 : i32
      %dma_wait3A_788 = arith.constant 0 : i32
      %dma_wait3A_789 = tpu.memref_slice %arg6[%dma_wait3A_786, %dma_wait3A_787, %dma_wait3A_788] : memref<8x128x64xf32, #tpu.memory_space<vmem>> -> memref<1x128x64xf32, #tpu.memory_space<vmem>>
      %dma_wait3A_790 = tpu.memref_squeeze %dma_wait3A_789 : memref<1x128x64xf32, #tpu.memory_space<vmem>> -> memref<128x64xf32, #tpu.memory_space<vmem>>
      %dma_wait3A_791 = arith.constant 0 : i32
      %dma_wait3A_792 = tpu.memref_slice %arg5[%add3A_752, %dma_wait3A_791] : memref<200x128xi32, #tpu.memory_space<vmem>> -> memref<1x128xi32, #tpu.memory_space<vmem>>
      %dma_wait3A_793 = tpu.memref_squeeze %dma_wait3A_792 : memref<1x128xi32, #tpu.memory_space<vmem>> -> memref<128xi32, #tpu.memory_space<vmem>>
      %dma_wait3A_794 = arith.constant 0 : i32
      %dma_wait3A_795 = arith.constant 0 : i32
      %dma_wait3A_796 = tpu.memref_slice %arg3[%dma_wait3A_794, %dma_wait3A_795] : memref<1000000x64xf32, #tpu.memory_space<hbm>> -> memref<1000000x64xf32, #tpu.memory_space<hbm>>
      tpu.wait_indirect_dma semaphore(%arg8 : memref<!tpu.dma_semaphore, #tpu.memory_space<semaphore_mem>>) src(%dma_wait3A_796 : memref<1000000x64xf32, #tpu.memory_space<hbm>>) dst(%dma_wait3A_790 : memref<128x64xf32, #tpu.memory_space<vmem>>)
      %mul3A_797 = arith.constant 128 : i32
      %mul3A_798 = arith.muli %add3A_752, %mul3A_797 : i32
      %add3A_799 = arith.addi %mul3A_2, %mul3A_798 : i32
      %dma_start3A_800 = arith.constant 1 : i32
      %dma_start3A_801 = arith.constant 0 : i32
      %dma_start3A_802 = arith.constant 0 : i32
      %dma_start3A_803 = tpu.memref_slice %arg6[%dma_start3A_800, %dma_start3A_801, %dma_start3A_802] : memref<8x128x64xf32, #tpu.memory_space<vmem>> -> memref<1x128x64xf32, #tpu.memory_space<vmem>>
      %dma_start3A_804 = tpu.memref_squeeze %dma_start3A_803 : memref<1x128x64xf32, #tpu.memory_space<vmem>> -> memref<128x64xf32, #tpu.memory_space<vmem>>
      %dma_start3A_805 = arith.constant 0 : i32
      %dma_start3A_806 = tpu.memref_slice %arg4[%add3A_799, %dma_start3A_805] : memref<819200x64xf32, #tpu.memory_space<hbm>> -> memref<128x64xf32, #tpu.memory_space<hbm>>
      %dma_start3A_807 = arith.constant 0 : i32
      %dma_start3A_808 = tpu.memref_slice %arg4[%add3A_799, %dma_start3A_807] : memref<819200x64xf32, #tpu.memory_space<hbm>> -> memref<128x64xf32, #tpu.memory_space<hbm>>
      %dma_start3A_809 = arith.constant 0 : i32
      %dma_start3A_810 = arith.constant 0 : i32
      %dma_start3A_811 = tpu.memref_slice %arg6[%dma_start3A_800, %dma_start3A_809, %dma_start3A_810] : memref<8x128x64xf32, #tpu.memory_space<vmem>> -> memref<1x128x64xf32, #tpu.memory_space<vmem>>
      %dma_start3A_812 = tpu.memref_squeeze %dma_start3A_811 : memref<1x128x64xf32, #tpu.memory_space<vmem>> -> memref<128x64xf32, #tpu.memory_space<vmem>>
      tpu.enqueue_dma source(%dma_start3A_812 : memref<128x64xf32, #tpu.memory_space<vmem>>) target(%dma_start3A_808 : memref<128x64xf32, #tpu.memory_space<hbm>>) target_semaphore(%arg16 : memref<!tpu.dma_semaphore, #tpu.memory_space<semaphore_mem>>)
      %add3A_813 = arith.constant 6 : i32
      %add3A_814 = arith.addi %add3A_441, %add3A_813 : i32
      %add3A_815 = arith.constant 4 : i32
      %add3A_816 = arith.addi %add3A_814, %add3A_815 : i32
      %sub3A_817 = arith.constant 8 : i32
      %sub3A_818 = arith.subi %add3A_816, %sub3A_817 : i32
      %mul3A_819 = arith.constant 128 : i32
      %mul3A_820 = arith.muli %sub3A_818, %mul3A_819 : i32
      %add3A_821 = arith.addi %mul3A_2, %mul3A_820 : i32
      %dma_wait3A_822 = arith.constant 6 : i32
      %dma_wait3A_823 = arith.constant 0 : i32
      %dma_wait3A_824 = arith.constant 0 : i32
      %dma_wait3A_825 = tpu.memref_slice %arg6[%dma_wait3A_822, %dma_wait3A_823, %dma_wait3A_824] : memref<8x128x64xf32, #tpu.memory_space<vmem>> -> memref<1x128x64xf32, #tpu.memory_space<vmem>>
      %dma_wait3A_826 = tpu.memref_squeeze %dma_wait3A_825 : memref<1x128x64xf32, #tpu.memory_space<vmem>> -> memref<128x64xf32, #tpu.memory_space<vmem>>
      %dma_wait3A_827 = arith.constant 0 : i32
      %dma_wait3A_828 = tpu.memref_slice %arg4[%add3A_821, %dma_wait3A_827] : memref<819200x64xf32, #tpu.memory_space<hbm>> -> memref<128x64xf32, #tpu.memory_space<hbm>>
      %dma_wait3A_829 = arith.constant 0 : i32
      %dma_wait3A_830 = tpu.memref_slice %arg4[%add3A_821, %dma_wait3A_829] : memref<819200x64xf32, #tpu.memory_space<hbm>> -> memref<128x64xf32, #tpu.memory_space<hbm>>
      %dma_wait3A_831 = arith.constant 0 : i32
      %dma_wait3A_832 = arith.constant 0 : i32
      %dma_wait3A_833 = tpu.memref_slice %arg6[%dma_wait3A_822, %dma_wait3A_831, %dma_wait3A_832] : memref<8x128x64xf32, #tpu.memory_space<vmem>> -> memref<1x128x64xf32, #tpu.memory_space<vmem>>
      %dma_wait3A_834 = tpu.memref_squeeze %dma_wait3A_833 : memref<1x128x64xf32, #tpu.memory_space<vmem>> -> memref<128x64xf32, #tpu.memory_space<vmem>>
      tpu.wait_dma2 semaphore(%arg21 : memref<!tpu.dma_semaphore, #tpu.memory_space<semaphore_mem>>) src(%dma_wait3A_834 : memref<128x64xf32, #tpu.memory_space<vmem>>) dst(%dma_wait3A_830 : memref<128x64xf32, #tpu.memory_space<hbm>>)
      %add3A_835 = arith.constant 4 : i32
      %add3A_836 = arith.addi %add3A_814, %add3A_835 : i32
      %dma_start3A_837 = arith.constant 6 : i32
      %dma_start3A_838 = arith.constant 0 : i32
      %dma_start3A_839 = arith.constant 0 : i32
      %dma_start3A_840 = tpu.memref_slice %arg6[%dma_start3A_837, %dma_start3A_838, %dma_start3A_839] : memref<8x128x64xf32, #tpu.memory_space<vmem>> -> memref<1x128x64xf32, #tpu.memory_space<vmem>>
      %dma_start3A_841 = tpu.memref_squeeze %dma_start3A_840 : memref<1x128x64xf32, #tpu.memory_space<vmem>> -> memref<128x64xf32, #tpu.memory_space<vmem>>
      %dma_start3A_842 = arith.constant 0 : i32
      %dma_start3A_843 = tpu.memref_slice %arg5[%add3A_836, %dma_start3A_842] : memref<200x128xi32, #tpu.memory_space<vmem>> -> memref<1x128xi32, #tpu.memory_space<vmem>>
      %dma_start3A_844 = tpu.memref_squeeze %dma_start3A_843 : memref<1x128xi32, #tpu.memory_space<vmem>> -> memref<128xi32, #tpu.memory_space<vmem>>
      %dma_start3A_845 = arith.constant 0 : i32
      %dma_start3A_846 = arith.constant 0 : i32
      %dma_start3A_847 = tpu.memref_slice %arg3[%dma_start3A_845, %dma_start3A_846] : memref<1000000x64xf32, #tpu.memory_space<hbm>> -> memref<1000000x64xf32, #tpu.memory_space<hbm>>
      tpu.enqueue_indirect_dma source(%dma_start3A_847 : memref<1000000x64xf32, #tpu.memory_space<hbm>>) target(%dma_start3A_841 : memref<128x64xf32, #tpu.memory_space<vmem>>) offsets(%dma_start3A_844 : memref<128xi32, #tpu.memory_space<vmem>>) semaphore(%arg13 : memref<!tpu.dma_semaphore, #tpu.memory_space<semaphore_mem>>)
      %dma_wait3A_848 = arith.constant 2 : i32
      %dma_wait3A_849 = arith.constant 0 : i32
      %dma_wait3A_850 = arith.constant 0 : i32
      %dma_wait3A_851 = tpu.memref_slice %arg6[%dma_wait3A_848, %dma_wait3A_849, %dma_wait3A_850] : memref<8x128x64xf32, #tpu.memory_space<vmem>> -> memref<1x128x64xf32, #tpu.memory_space<vmem>>
      %dma_wait3A_852 = tpu.memref_squeeze %dma_wait3A_851 : memref<1x128x64xf32, #tpu.memory_space<vmem>> -> memref<128x64xf32, #tpu.memory_space<vmem>>
      %dma_wait3A_853 = arith.constant 0 : i32
      %dma_wait3A_854 = tpu.memref_slice %arg5[%add3A_814, %dma_wait3A_853] : memref<200x128xi32, #tpu.memory_space<vmem>> -> memref<1x128xi32, #tpu.memory_space<vmem>>
      %dma_wait3A_855 = tpu.memref_squeeze %dma_wait3A_854 : memref<1x128xi32, #tpu.memory_space<vmem>> -> memref<128xi32, #tpu.memory_space<vmem>>
      %dma_wait3A_856 = arith.constant 0 : i32
      %dma_wait3A_857 = arith.constant 0 : i32
      %dma_wait3A_858 = tpu.memref_slice %arg3[%dma_wait3A_856, %dma_wait3A_857] : memref<1000000x64xf32, #tpu.memory_space<hbm>> -> memref<1000000x64xf32, #tpu.memory_space<hbm>>
      tpu.wait_indirect_dma semaphore(%arg9 : memref<!tpu.dma_semaphore, #tpu.memory_space<semaphore_mem>>) src(%dma_wait3A_858 : memref<1000000x64xf32, #tpu.memory_space<hbm>>) dst(%dma_wait3A_852 : memref<128x64xf32, #tpu.memory_space<vmem>>)
      %mul3A_859 = arith.constant 128 : i32
      %mul3A_860 = arith.muli %add3A_814, %mul3A_859 : i32
      %add3A_861 = arith.addi %mul3A_2, %mul3A_860 : i32
      %dma_start3A_862 = arith.constant 2 : i32
      %dma_start3A_863 = arith.constant 0 : i32
      %dma_start3A_864 = arith.constant 0 : i32
      %dma_start3A_865 = tpu.memref_slice %arg6[%dma_start3A_862, %dma_start3A_863, %dma_start3A_864] : memref<8x128x64xf32, #tpu.memory_space<vmem>> -> memref<1x128x64xf32, #tpu.memory_space<vmem>>
      %dma_start3A_866 = tpu.memref_squeeze %dma_start3A_865 : memref<1x128x64xf32, #tpu.memory_space<vmem>> -> memref<128x64xf32, #tpu.memory_space<vmem>>
      %dma_start3A_867 = arith.constant 0 : i32
      %dma_start3A_868 = tpu.memref_slice %arg4[%add3A_861, %dma_start3A_867] : memref<819200x64xf32, #tpu.memory_space<hbm>> -> memref<128x64xf32, #tpu.memory_space<hbm>>
      %dma_start3A_869 = arith.constant 0 : i32
      %dma_start3A_870 = tpu.memref_slice %arg4[%add3A_861, %dma_start3A_869] : memref<819200x64xf32, #tpu.memory_space<hbm>> -> memref<128x64xf32, #tpu.memory_space<hbm>>
      %dma_start3A_871 = arith.constant 0 : i32
      %dma_start3A_872 = arith.constant 0 : i32
      %dma_start3A_873 = tpu.memref_slice %arg6[%dma_start3A_862, %dma_start3A_871, %dma_start3A_872] : memref<8x128x64xf32, #tpu.memory_space<vmem>> -> memref<1x128x64xf32, #tpu.memory_space<vmem>>
      %dma_start3A_874 = tpu.memref_squeeze %dma_start3A_873 : memref<1x128x64xf32, #tpu.memory_space<vmem>> -> memref<128x64xf32, #tpu.memory_space<vmem>>
      tpu.enqueue_dma source(%dma_start3A_874 : memref<128x64xf32, #tpu.memory_space<vmem>>) target(%dma_start3A_870 : memref<128x64xf32, #tpu.memory_space<hbm>>) target_semaphore(%arg17 : memref<!tpu.dma_semaphore, #tpu.memory_space<semaphore_mem>>)
      %add3A_875 = arith.constant 7 : i32
      %add3A_876 = arith.addi %add3A_441, %add3A_875 : i32
      %add3A_877 = arith.constant 4 : i32
      %add3A_878 = arith.addi %add3A_876, %add3A_877 : i32
      %sub3A_879 = arith.constant 8 : i32
      %sub3A_880 = arith.subi %add3A_878, %sub3A_879 : i32
      %mul3A_881 = arith.constant 128 : i32
      %mul3A_882 = arith.muli %sub3A_880, %mul3A_881 : i32
      %add3A_883 = arith.addi %mul3A_2, %mul3A_882 : i32
      %dma_wait3A_884 = arith.constant 7 : i32
      %dma_wait3A_885 = arith.constant 0 : i32
      %dma_wait3A_886 = arith.constant 0 : i32
      %dma_wait3A_887 = tpu.memref_slice %arg6[%dma_wait3A_884, %dma_wait3A_885, %dma_wait3A_886] : memref<8x128x64xf32, #tpu.memory_space<vmem>> -> memref<1x128x64xf32, #tpu.memory_space<vmem>>
      %dma_wait3A_888 = tpu.memref_squeeze %dma_wait3A_887 : memref<1x128x64xf32, #tpu.memory_space<vmem>> -> memref<128x64xf32, #tpu.memory_space<vmem>>
      %dma_wait3A_889 = arith.constant 0 : i32
      %dma_wait3A_890 = tpu.memref_slice %arg4[%add3A_883, %dma_wait3A_889] : memref<819200x64xf32, #tpu.memory_space<hbm>> -> memref<128x64xf32, #tpu.memory_space<hbm>>
      %dma_wait3A_891 = arith.constant 0 : i32
      %dma_wait3A_892 = tpu.memref_slice %arg4[%add3A_883, %dma_wait3A_891] : memref<819200x64xf32, #tpu.memory_space<hbm>> -> memref<128x64xf32, #tpu.memory_space<hbm>>
      %dma_wait3A_893 = arith.constant 0 : i32
      %dma_wait3A_894 = arith.constant 0 : i32
      %dma_wait3A_895 = tpu.memref_slice %arg6[%dma_wait3A_884, %dma_wait3A_893, %dma_wait3A_894] : memref<8x128x64xf32, #tpu.memory_space<vmem>> -> memref<1x128x64xf32, #tpu.memory_space<vmem>>
      %dma_wait3A_896 = tpu.memref_squeeze %dma_wait3A_895 : memref<1x128x64xf32, #tpu.memory_space<vmem>> -> memref<128x64xf32, #tpu.memory_space<vmem>>
      tpu.wait_dma2 semaphore(%arg22 : memref<!tpu.dma_semaphore, #tpu.memory_space<semaphore_mem>>) src(%dma_wait3A_896 : memref<128x64xf32, #tpu.memory_space<vmem>>) dst(%dma_wait3A_892 : memref<128x64xf32, #tpu.memory_space<hbm>>)
      %add3A_897 = arith.constant 4 : i32
      %add3A_898 = arith.addi %add3A_876, %add3A_897 : i32
      %dma_start3A_899 = arith.constant 7 : i32
      %dma_start3A_900 = arith.constant 0 : i32
      %dma_start3A_901 = arith.constant 0 : i32
      %dma_start3A_902 = tpu.memref_slice %arg6[%dma_start3A_899, %dma_start3A_900, %dma_start3A_901] : memref<8x128x64xf32, #tpu.memory_space<vmem>> -> memref<1x128x64xf32, #tpu.memory_space<vmem>>
      %dma_start3A_903 = tpu.memref_squeeze %dma_start3A_902 : memref<1x128x64xf32, #tpu.memory_space<vmem>> -> memref<128x64xf32, #tpu.memory_space<vmem>>
      %dma_start3A_904 = arith.constant 0 : i32
      %dma_start3A_905 = tpu.memref_slice %arg5[%add3A_898, %dma_start3A_904] : memref<200x128xi32, #tpu.memory_space<vmem>> -> memref<1x128xi32, #tpu.memory_space<vmem>>
      %dma_start3A_906 = tpu.memref_squeeze %dma_start3A_905 : memref<1x128xi32, #tpu.memory_space<vmem>> -> memref<128xi32, #tpu.memory_space<vmem>>
      %dma_start3A_907 = arith.constant 0 : i32
      %dma_start3A_908 = arith.constant 0 : i32
      %dma_start3A_909 = tpu.memref_slice %arg3[%dma_start3A_907, %dma_start3A_908] : memref<1000000x64xf32, #tpu.memory_space<hbm>> -> memref<1000000x64xf32, #tpu.memory_space<hbm>>
      tpu.enqueue_indirect_dma source(%dma_start3A_909 : memref<1000000x64xf32, #tpu.memory_space<hbm>>) target(%dma_start3A_903 : memref<128x64xf32, #tpu.memory_space<vmem>>) offsets(%dma_start3A_906 : memref<128xi32, #tpu.memory_space<vmem>>) semaphore(%arg14 : memref<!tpu.dma_semaphore, #tpu.memory_space<semaphore_mem>>)
      %dma_wait3A_910 = arith.constant 3 : i32
      %dma_wait3A_911 = arith.constant 0 : i32
      %dma_wait3A_912 = arith.constant 0 : i32
      %dma_wait3A_913 = tpu.memref_slice %arg6[%dma_wait3A_910, %dma_wait3A_911, %dma_wait3A_912] : memref<8x128x64xf32, #tpu.memory_space<vmem>> -> memref<1x128x64xf32, #tpu.memory_space<vmem>>
      %dma_wait3A_914 = tpu.memref_squeeze %dma_wait3A_913 : memref<1x128x64xf32, #tpu.memory_space<vmem>> -> memref<128x64xf32, #tpu.memory_space<vmem>>
      %dma_wait3A_915 = arith.constant 0 : i32
      %dma_wait3A_916 = tpu.memref_slice %arg5[%add3A_876, %dma_wait3A_915] : memref<200x128xi32, #tpu.memory_space<vmem>> -> memref<1x128xi32, #tpu.memory_space<vmem>>
      %dma_wait3A_917 = tpu.memref_squeeze %dma_wait3A_916 : memref<1x128xi32, #tpu.memory_space<vmem>> -> memref<128xi32, #tpu.memory_space<vmem>>
      %dma_wait3A_918 = arith.constant 0 : i32
      %dma_wait3A_919 = arith.constant 0 : i32
      %dma_wait3A_920 = tpu.memref_slice %arg3[%dma_wait3A_918, %dma_wait3A_919] : memref<1000000x64xf32, #tpu.memory_space<hbm>> -> memref<1000000x64xf32, #tpu.memory_space<hbm>>
      tpu.wait_indirect_dma semaphore(%arg10 : memref<!tpu.dma_semaphore, #tpu.memory_space<semaphore_mem>>) src(%dma_wait3A_920 : memref<1000000x64xf32, #tpu.memory_space<hbm>>) dst(%dma_wait3A_914 : memref<128x64xf32, #tpu.memory_space<vmem>>)
      %mul3A_921 = arith.constant 128 : i32
      %mul3A_922 = arith.muli %add3A_876, %mul3A_921 : i32
      %add3A_923 = arith.addi %mul3A_2, %mul3A_922 : i32
      %dma_start3A_924 = arith.constant 3 : i32
      %dma_start3A_925 = arith.constant 0 : i32
      %dma_start3A_926 = arith.constant 0 : i32
      %dma_start3A_927 = tpu.memref_slice %arg6[%dma_start3A_924, %dma_start3A_925, %dma_start3A_926] : memref<8x128x64xf32, #tpu.memory_space<vmem>> -> memref<1x128x64xf32, #tpu.memory_space<vmem>>
      %dma_start3A_928 = tpu.memref_squeeze %dma_start3A_927 : memref<1x128x64xf32, #tpu.memory_space<vmem>> -> memref<128x64xf32, #tpu.memory_space<vmem>>
      %dma_start3A_929 = arith.constant 0 : i32
      %dma_start3A_930 = tpu.memref_slice %arg4[%add3A_923, %dma_start3A_929] : memref<819200x64xf32, #tpu.memory_space<hbm>> -> memref<128x64xf32, #tpu.memory_space<hbm>>
      %dma_start3A_931 = arith.constant 0 : i32
      %dma_start3A_932 = tpu.memref_slice %arg4[%add3A_923, %dma_start3A_931] : memref<819200x64xf32, #tpu.memory_space<hbm>> -> memref<128x64xf32, #tpu.memory_space<hbm>>
      %dma_start3A_933 = arith.constant 0 : i32
      %dma_start3A_934 = arith.constant 0 : i32
      %dma_start3A_935 = tpu.memref_slice %arg6[%dma_start3A_924, %dma_start3A_933, %dma_start3A_934] : memref<8x128x64xf32, #tpu.memory_space<vmem>> -> memref<1x128x64xf32, #tpu.memory_space<vmem>>
      %dma_start3A_936 = tpu.memref_squeeze %dma_start3A_935 : memref<1x128x64xf32, #tpu.memory_space<vmem>> -> memref<128x64xf32, #tpu.memory_space<vmem>>
      tpu.enqueue_dma source(%dma_start3A_936 : memref<128x64xf32, #tpu.memory_space<vmem>>) target(%dma_start3A_932 : memref<128x64xf32, #tpu.memory_space<hbm>>) target_semaphore(%arg18 : memref<!tpu.dma_semaphore, #tpu.memory_space<semaphore_mem>>)
    }
    %scan3A_208 = arith.constant 24 : i32
    %dma_wait3A_209 = arith.constant 196 : i32
    %dma_wait3A_210 = arith.constant 4 : i32
    %dma_wait3A_211 = arith.constant 0 : i32
    %dma_wait3A_212 = arith.constant 0 : i32
    %dma_wait3A_213 = tpu.memref_slice %arg6[%dma_wait3A_210, %dma_wait3A_211, %dma_wait3A_212] : memref<8x128x64xf32, #tpu.memory_space<vmem>> -> memref<1x128x64xf32, #tpu.memory_space<vmem>>
    %dma_wait3A_214 = tpu.memref_squeeze %dma_wait3A_213 : memref<1x128x64xf32, #tpu.memory_space<vmem>> -> memref<128x64xf32, #tpu.memory_space<vmem>>
    %dma_wait3A_215 = arith.constant 0 : i32
    %dma_wait3A_216 = tpu.memref_slice %arg5[%dma_wait3A_209, %dma_wait3A_215] : memref<200x128xi32, #tpu.memory_space<vmem>> -> memref<1x128xi32, #tpu.memory_space<vmem>>
    %dma_wait3A_217 = tpu.memref_squeeze %dma_wait3A_216 : memref<1x128xi32, #tpu.memory_space<vmem>> -> memref<128xi32, #tpu.memory_space<vmem>>
    %dma_wait3A_218 = arith.constant 0 : i32
    %dma_wait3A_219 = arith.constant 0 : i32
    %dma_wait3A_220 = tpu.memref_slice %arg3[%dma_wait3A_218, %dma_wait3A_219] : memref<1000000x64xf32, #tpu.memory_space<hbm>> -> memref<1000000x64xf32, #tpu.memory_space<hbm>>
    tpu.wait_indirect_dma semaphore(%arg11 : memref<!tpu.dma_semaphore, #tpu.memory_space<semaphore_mem>>) src(%dma_wait3A_220 : memref<1000000x64xf32, #tpu.memory_space<hbm>>) dst(%dma_wait3A_214 : memref<128x64xf32, #tpu.memory_space<vmem>>)
    %add3A_221 = arith.constant 25088 : i32
    %add3A_222 = arith.addi %mul3A_2, %add3A_221 : i32
    %dma_start3A_223 = arith.constant 4 : i32
    %dma_start3A_224 = arith.constant 0 : i32
    %dma_start3A_225 = arith.constant 0 : i32
    %dma_start3A_226 = tpu.memref_slice %arg6[%dma_start3A_223, %dma_start3A_224, %dma_start3A_225] : memref<8x128x64xf32, #tpu.memory_space<vmem>> -> memref<1x128x64xf32, #tpu.memory_space<vmem>>
    %dma_start3A_227 = tpu.memref_squeeze %dma_start3A_226 : memref<1x128x64xf32, #tpu.memory_space<vmem>> -> memref<128x64xf32, #tpu.memory_space<vmem>>
    %dma_start3A_228 = arith.constant 0 : i32
    %dma_start3A_229 = tpu.memref_slice %arg4[%add3A_222, %dma_start3A_228] : memref<819200x64xf32, #tpu.memory_space<hbm>> -> memref<128x64xf32, #tpu.memory_space<hbm>>
    %dma_start3A_230 = arith.constant 0 : i32
    %dma_start3A_231 = tpu.memref_slice %arg4[%add3A_222, %dma_start3A_230] : memref<819200x64xf32, #tpu.memory_space<hbm>> -> memref<128x64xf32, #tpu.memory_space<hbm>>
    %dma_start3A_232 = arith.constant 0 : i32
    %dma_start3A_233 = arith.constant 0 : i32
    %dma_start3A_234 = tpu.memref_slice %arg6[%dma_start3A_223, %dma_start3A_232, %dma_start3A_233] : memref<8x128x64xf32, #tpu.memory_space<vmem>> -> memref<1x128x64xf32, #tpu.memory_space<vmem>>
    %dma_start3A_235 = tpu.memref_squeeze %dma_start3A_234 : memref<1x128x64xf32, #tpu.memory_space<vmem>> -> memref<128x64xf32, #tpu.memory_space<vmem>>
    tpu.enqueue_dma source(%dma_start3A_235 : memref<128x64xf32, #tpu.memory_space<vmem>>) target(%dma_start3A_231 : memref<128x64xf32, #tpu.memory_space<hbm>>) target_semaphore(%arg19 : memref<!tpu.dma_semaphore, #tpu.memory_space<semaphore_mem>>)
    %dma_wait3A_236 = arith.constant 197 : i32
    %dma_wait3A_237 = arith.constant 5 : i32
    %dma_wait3A_238 = arith.constant 0 : i32
    %dma_wait3A_239 = arith.constant 0 : i32
    %dma_wait3A_240 = tpu.memref_slice %arg6[%dma_wait3A_237, %dma_wait3A_238, %dma_wait3A_239] : memref<8x128x64xf32, #tpu.memory_space<vmem>> -> memref<1x128x64xf32, #tpu.memory_space<vmem>>
    %dma_wait3A_241 = tpu.memref_squeeze %dma_wait3A_240 : memref<1x128x64xf32, #tpu.memory_space<vmem>> -> memref<128x64xf32, #tpu.memory_space<vmem>>
    %dma_wait3A_242 = arith.constant 0 : i32
    %dma_wait3A_243 = tpu.memref_slice %arg5[%dma_wait3A_236, %dma_wait3A_242] : memref<200x128xi32, #tpu.memory_space<vmem>> -> memref<1x128xi32, #tpu.memory_space<vmem>>
    %dma_wait3A_244 = tpu.memref_squeeze %dma_wait3A_243 : memref<1x128xi32, #tpu.memory_space<vmem>> -> memref<128xi32, #tpu.memory_space<vmem>>
    %dma_wait3A_245 = arith.constant 0 : i32
    %dma_wait3A_246 = arith.constant 0 : i32
    %dma_wait3A_247 = tpu.memref_slice %arg3[%dma_wait3A_245, %dma_wait3A_246] : memref<1000000x64xf32, #tpu.memory_space<hbm>> -> memref<1000000x64xf32, #tpu.memory_space<hbm>>
    tpu.wait_indirect_dma semaphore(%arg12 : memref<!tpu.dma_semaphore, #tpu.memory_space<semaphore_mem>>) src(%dma_wait3A_247 : memref<1000000x64xf32, #tpu.memory_space<hbm>>) dst(%dma_wait3A_241 : memref<128x64xf32, #tpu.memory_space<vmem>>)
    %add3A_248 = arith.constant 25216 : i32
    %add3A_249 = arith.addi %mul3A_2, %add3A_248 : i32
    %dma_start3A_250 = arith.constant 5 : i32
    %dma_start3A_251 = arith.constant 0 : i32
    %dma_start3A_252 = arith.constant 0 : i32
    %dma_start3A_253 = tpu.memref_slice %arg6[%dma_start3A_250, %dma_start3A_251, %dma_start3A_252] : memref<8x128x64xf32, #tpu.memory_space<vmem>> -> memref<1x128x64xf32, #tpu.memory_space<vmem>>
    %dma_start3A_254 = tpu.memref_squeeze %dma_start3A_253 : memref<1x128x64xf32, #tpu.memory_space<vmem>> -> memref<128x64xf32, #tpu.memory_space<vmem>>
    %dma_start3A_255 = arith.constant 0 : i32
    %dma_start3A_256 = tpu.memref_slice %arg4[%add3A_249, %dma_start3A_255] : memref<819200x64xf32, #tpu.memory_space<hbm>> -> memref<128x64xf32, #tpu.memory_space<hbm>>
    %dma_start3A_257 = arith.constant 0 : i32
    %dma_start3A_258 = tpu.memref_slice %arg4[%add3A_249, %dma_start3A_257] : memref<819200x64xf32, #tpu.memory_space<hbm>> -> memref<128x64xf32, #tpu.memory_space<hbm>>
    %dma_start3A_259 = arith.constant 0 : i32
    %dma_start3A_260 = arith.constant 0 : i32
    %dma_start3A_261 = tpu.memref_slice %arg6[%dma_start3A_250, %dma_start3A_259, %dma_start3A_260] : memref<8x128x64xf32, #tpu.memory_space<vmem>> -> memref<1x128x64xf32, #tpu.memory_space<vmem>>
    %dma_start3A_262 = tpu.memref_squeeze %dma_start3A_261 : memref<1x128x64xf32, #tpu.memory_space<vmem>> -> memref<128x64xf32, #tpu.memory_space<vmem>>
    tpu.enqueue_dma source(%dma_start3A_262 : memref<128x64xf32, #tpu.memory_space<vmem>>) target(%dma_start3A_258 : memref<128x64xf32, #tpu.memory_space<hbm>>) target_semaphore(%arg20 : memref<!tpu.dma_semaphore, #tpu.memory_space<semaphore_mem>>)
    %dma_wait3A_263 = arith.constant 198 : i32
    %dma_wait3A_264 = arith.constant 6 : i32
    %dma_wait3A_265 = arith.constant 0 : i32
    %dma_wait3A_266 = arith.constant 0 : i32
    %dma_wait3A_267 = tpu.memref_slice %arg6[%dma_wait3A_264, %dma_wait3A_265, %dma_wait3A_266] : memref<8x128x64xf32, #tpu.memory_space<vmem>> -> memref<1x128x64xf32, #tpu.memory_space<vmem>>
    %dma_wait3A_268 = tpu.memref_squeeze %dma_wait3A_267 : memref<1x128x64xf32, #tpu.memory_space<vmem>> -> memref<128x64xf32, #tpu.memory_space<vmem>>
    %dma_wait3A_269 = arith.constant 0 : i32
    %dma_wait3A_270 = tpu.memref_slice %arg5[%dma_wait3A_263, %dma_wait3A_269] : memref<200x128xi32, #tpu.memory_space<vmem>> -> memref<1x128xi32, #tpu.memory_space<vmem>>
    %dma_wait3A_271 = tpu.memref_squeeze %dma_wait3A_270 : memref<1x128xi32, #tpu.memory_space<vmem>> -> memref<128xi32, #tpu.memory_space<vmem>>
    %dma_wait3A_272 = arith.constant 0 : i32
    %dma_wait3A_273 = arith.constant 0 : i32
    %dma_wait3A_274 = tpu.memref_slice %arg3[%dma_wait3A_272, %dma_wait3A_273] : memref<1000000x64xf32, #tpu.memory_space<hbm>> -> memref<1000000x64xf32, #tpu.memory_space<hbm>>
    tpu.wait_indirect_dma semaphore(%arg13 : memref<!tpu.dma_semaphore, #tpu.memory_space<semaphore_mem>>) src(%dma_wait3A_274 : memref<1000000x64xf32, #tpu.memory_space<hbm>>) dst(%dma_wait3A_268 : memref<128x64xf32, #tpu.memory_space<vmem>>)
    %add3A_275 = arith.constant 25344 : i32
    %add3A_276 = arith.addi %mul3A_2, %add3A_275 : i32
    %dma_start3A_277 = arith.constant 6 : i32
    %dma_start3A_278 = arith.constant 0 : i32
    %dma_start3A_279 = arith.constant 0 : i32
    %dma_start3A_280 = tpu.memref_slice %arg6[%dma_start3A_277, %dma_start3A_278, %dma_start3A_279] : memref<8x128x64xf32, #tpu.memory_space<vmem>> -> memref<1x128x64xf32, #tpu.memory_space<vmem>>
    %dma_start3A_281 = tpu.memref_squeeze %dma_start3A_280 : memref<1x128x64xf32, #tpu.memory_space<vmem>> -> memref<128x64xf32, #tpu.memory_space<vmem>>
    %dma_start3A_282 = arith.constant 0 : i32
    %dma_start3A_283 = tpu.memref_slice %arg4[%add3A_276, %dma_start3A_282] : memref<819200x64xf32, #tpu.memory_space<hbm>> -> memref<128x64xf32, #tpu.memory_space<hbm>>
    %dma_start3A_284 = arith.constant 0 : i32
    %dma_start3A_285 = tpu.memref_slice %arg4[%add3A_276, %dma_start3A_284] : memref<819200x64xf32, #tpu.memory_space<hbm>> -> memref<128x64xf32, #tpu.memory_space<hbm>>
    %dma_start3A_286 = arith.constant 0 : i32
    %dma_start3A_287 = arith.constant 0 : i32
    %dma_start3A_288 = tpu.memref_slice %arg6[%dma_start3A_277, %dma_start3A_286, %dma_start3A_287] : memref<8x128x64xf32, #tpu.memory_space<vmem>> -> memref<1x128x64xf32, #tpu.memory_space<vmem>>
    %dma_start3A_289 = tpu.memref_squeeze %dma_start3A_288 : memref<1x128x64xf32, #tpu.memory_space<vmem>> -> memref<128x64xf32, #tpu.memory_space<vmem>>
    tpu.enqueue_dma source(%dma_start3A_289 : memref<128x64xf32, #tpu.memory_space<vmem>>) target(%dma_start3A_285 : memref<128x64xf32, #tpu.memory_space<hbm>>) target_semaphore(%arg21 : memref<!tpu.dma_semaphore, #tpu.memory_space<semaphore_mem>>)
    %dma_wait3A_290 = arith.constant 199 : i32
    %dma_wait3A_291 = arith.constant 7 : i32
    %dma_wait3A_292 = arith.constant 0 : i32
    %dma_wait3A_293 = arith.constant 0 : i32
    %dma_wait3A_294 = tpu.memref_slice %arg6[%dma_wait3A_291, %dma_wait3A_292, %dma_wait3A_293] : memref<8x128x64xf32, #tpu.memory_space<vmem>> -> memref<1x128x64xf32, #tpu.memory_space<vmem>>
    %dma_wait3A_295 = tpu.memref_squeeze %dma_wait3A_294 : memref<1x128x64xf32, #tpu.memory_space<vmem>> -> memref<128x64xf32, #tpu.memory_space<vmem>>
    %dma_wait3A_296 = arith.constant 0 : i32
    %dma_wait3A_297 = tpu.memref_slice %arg5[%dma_wait3A_290, %dma_wait3A_296] : memref<200x128xi32, #tpu.memory_space<vmem>> -> memref<1x128xi32, #tpu.memory_space<vmem>>
    %dma_wait3A_298 = tpu.memref_squeeze %dma_wait3A_297 : memref<1x128xi32, #tpu.memory_space<vmem>> -> memref<128xi32, #tpu.memory_space<vmem>>
    %dma_wait3A_299 = arith.constant 0 : i32
    %dma_wait3A_300 = arith.constant 0 : i32
    %dma_wait3A_301 = tpu.memref_slice %arg3[%dma_wait3A_299, %dma_wait3A_300] : memref<1000000x64xf32, #tpu.memory_space<hbm>> -> memref<1000000x64xf32, #tpu.memory_space<hbm>>
    tpu.wait_indirect_dma semaphore(%arg14 : memref<!tpu.dma_semaphore, #tpu.memory_space<semaphore_mem>>) src(%dma_wait3A_301 : memref<1000000x64xf32, #tpu.memory_space<hbm>>) dst(%dma_wait3A_295 : memref<128x64xf32, #tpu.memory_space<vmem>>)
    %add3A_302 = arith.constant 25472 : i32
    %add3A_303 = arith.addi %mul3A_2, %add3A_302 : i32
    %dma_start3A_304 = arith.constant 7 : i32
    %dma_start3A_305 = arith.constant 0 : i32
    %dma_start3A_306 = arith.constant 0 : i32
    %dma_start3A_307 = tpu.memref_slice %arg6[%dma_start3A_304, %dma_start3A_305, %dma_start3A_306] : memref<8x128x64xf32, #tpu.memory_space<vmem>> -> memref<1x128x64xf32, #tpu.memory_space<vmem>>
    %dma_start3A_308 = tpu.memref_squeeze %dma_start3A_307 : memref<1x128x64xf32, #tpu.memory_space<vmem>> -> memref<128x64xf32, #tpu.memory_space<vmem>>
    %dma_start3A_309 = arith.constant 0 : i32
    %dma_start3A_310 = tpu.memref_slice %arg4[%add3A_303, %dma_start3A_309] : memref<819200x64xf32, #tpu.memory_space<hbm>> -> memref<128x64xf32, #tpu.memory_space<hbm>>
    %dma_start3A_311 = arith.constant 0 : i32
    %dma_start3A_312 = tpu.memref_slice %arg4[%add3A_303, %dma_start3A_311] : memref<819200x64xf32, #tpu.memory_space<hbm>> -> memref<128x64xf32, #tpu.memory_space<hbm>>
    %dma_start3A_313 = arith.constant 0 : i32
    %dma_start3A_314 = arith.constant 0 : i32
    %dma_start3A_315 = tpu.memref_slice %arg6[%dma_start3A_304, %dma_start3A_313, %dma_start3A_314] : memref<8x128x64xf32, #tpu.memory_space<vmem>> -> memref<1x128x64xf32, #tpu.memory_space<vmem>>
    %dma_start3A_316 = tpu.memref_squeeze %dma_start3A_315 : memref<1x128x64xf32, #tpu.memory_space<vmem>> -> memref<128x64xf32, #tpu.memory_space<vmem>>
    tpu.enqueue_dma source(%dma_start3A_316 : memref<128x64xf32, #tpu.memory_space<vmem>>) target(%dma_start3A_312 : memref<128x64xf32, #tpu.memory_space<hbm>>) target_semaphore(%arg22 : memref<!tpu.dma_semaphore, #tpu.memory_space<semaphore_mem>>)
    %add3A_317 = arith.constant 24576 : i32
    %add3A_318 = arith.addi %mul3A_2, %add3A_317 : i32
    %dma_wait3A_319 = arith.constant 0 : i32
    %dma_wait3A_320 = arith.constant 0 : i32
    %dma_wait3A_321 = arith.constant 0 : i32
    %dma_wait3A_322 = tpu.memref_slice %arg6[%dma_wait3A_319, %dma_wait3A_320, %dma_wait3A_321] : memref<8x128x64xf32, #tpu.memory_space<vmem>> -> memref<1x128x64xf32, #tpu.memory_space<vmem>>
    %dma_wait3A_323 = tpu.memref_squeeze %dma_wait3A_322 : memref<1x128x64xf32, #tpu.memory_space<vmem>> -> memref<128x64xf32, #tpu.memory_space<vmem>>
    %dma_wait3A_324 = arith.constant 0 : i32
    %dma_wait3A_325 = tpu.memref_slice %arg4[%add3A_318, %dma_wait3A_324] : memref<819200x64xf32, #tpu.memory_space<hbm>> -> memref<128x64xf32, #tpu.memory_space<hbm>>
    %dma_wait3A_326 = arith.constant 0 : i32
    %dma_wait3A_327 = tpu.memref_slice %arg4[%add3A_318, %dma_wait3A_326] : memref<819200x64xf32, #tpu.memory_space<hbm>> -> memref<128x64xf32, #tpu.memory_space<hbm>>
    %dma_wait3A_328 = arith.constant 0 : i32
    %dma_wait3A_329 = arith.constant 0 : i32
    %dma_wait3A_330 = tpu.memref_slice %arg6[%dma_wait3A_319, %dma_wait3A_328, %dma_wait3A_329] : memref<8x128x64xf32, #tpu.memory_space<vmem>> -> memref<1x128x64xf32, #tpu.memory_space<vmem>>
    %dma_wait3A_331 = tpu.memref_squeeze %dma_wait3A_330 : memref<1x128x64xf32, #tpu.memory_space<vmem>> -> memref<128x64xf32, #tpu.memory_space<vmem>>
    tpu.wait_dma2 semaphore(%arg15 : memref<!tpu.dma_semaphore, #tpu.memory_space<semaphore_mem>>) src(%dma_wait3A_331 : memref<128x64xf32, #tpu.memory_space<vmem>>) dst(%dma_wait3A_327 : memref<128x64xf32, #tpu.memory_space<hbm>>)
    %add3A_332 = arith.constant 24704 : i32
    %add3A_333 = arith.addi %mul3A_2, %add3A_332 : i32
    %dma_wait3A_334 = arith.constant 1 : i32
    %dma_wait3A_335 = arith.constant 0 : i32
    %dma_wait3A_336 = arith.constant 0 : i32
    %dma_wait3A_337 = tpu.memref_slice %arg6[%dma_wait3A_334, %dma_wait3A_335, %dma_wait3A_336] : memref<8x128x64xf32, #tpu.memory_space<vmem>> -> memref<1x128x64xf32, #tpu.memory_space<vmem>>
    %dma_wait3A_338 = tpu.memref_squeeze %dma_wait3A_337 : memref<1x128x64xf32, #tpu.memory_space<vmem>> -> memref<128x64xf32, #tpu.memory_space<vmem>>
    %dma_wait3A_339 = arith.constant 0 : i32
    %dma_wait3A_340 = tpu.memref_slice %arg4[%add3A_333, %dma_wait3A_339] : memref<819200x64xf32, #tpu.memory_space<hbm>> -> memref<128x64xf32, #tpu.memory_space<hbm>>
    %dma_wait3A_341 = arith.constant 0 : i32
    %dma_wait3A_342 = tpu.memref_slice %arg4[%add3A_333, %dma_wait3A_341] : memref<819200x64xf32, #tpu.memory_space<hbm>> -> memref<128x64xf32, #tpu.memory_space<hbm>>
    %dma_wait3A_343 = arith.constant 0 : i32
    %dma_wait3A_344 = arith.constant 0 : i32
    %dma_wait3A_345 = tpu.memref_slice %arg6[%dma_wait3A_334, %dma_wait3A_343, %dma_wait3A_344] : memref<8x128x64xf32, #tpu.memory_space<vmem>> -> memref<1x128x64xf32, #tpu.memory_space<vmem>>
    %dma_wait3A_346 = tpu.memref_squeeze %dma_wait3A_345 : memref<1x128x64xf32, #tpu.memory_space<vmem>> -> memref<128x64xf32, #tpu.memory_space<vmem>>
    tpu.wait_dma2 semaphore(%arg16 : memref<!tpu.dma_semaphore, #tpu.memory_space<semaphore_mem>>) src(%dma_wait3A_346 : memref<128x64xf32, #tpu.memory_space<vmem>>) dst(%dma_wait3A_342 : memref<128x64xf32, #tpu.memory_space<hbm>>)
    %add3A_347 = arith.constant 24832 : i32
    %add3A_348 = arith.addi %mul3A_2, %add3A_347 : i32
    %dma_wait3A_349 = arith.constant 2 : i32
    %dma_wait3A_350 = arith.constant 0 : i32
    %dma_wait3A_351 = arith.constant 0 : i32
    %dma_wait3A_352 = tpu.memref_slice %arg6[%dma_wait3A_349, %dma_wait3A_350, %dma_wait3A_351] : memref<8x128x64xf32, #tpu.memory_space<vmem>> -> memref<1x128x64xf32, #tpu.memory_space<vmem>>
    %dma_wait3A_353 = tpu.memref_squeeze %dma_wait3A_352 : memref<1x128x64xf32, #tpu.memory_space<vmem>> -> memref<128x64xf32, #tpu.memory_space<vmem>>
    %dma_wait3A_354 = arith.constant 0 : i32
    %dma_wait3A_355 = tpu.memref_slice %arg4[%add3A_348, %dma_wait3A_354] : memref<819200x64xf32, #tpu.memory_space<hbm>> -> memref<128x64xf32, #tpu.memory_space<hbm>>
    %dma_wait3A_356 = arith.constant 0 : i32
    %dma_wait3A_357 = tpu.memref_slice %arg4[%add3A_348, %dma_wait3A_356] : memref<819200x64xf32, #tpu.memory_space<hbm>> -> memref<128x64xf32, #tpu.memory_space<hbm>>
    %dma_wait3A_358 = arith.constant 0 : i32
    %dma_wait3A_359 = arith.constant 0 : i32
    %dma_wait3A_360 = tpu.memref_slice %arg6[%dma_wait3A_349, %dma_wait3A_358, %dma_wait3A_359] : memref<8x128x64xf32, #tpu.memory_space<vmem>> -> memref<1x128x64xf32, #tpu.memory_space<vmem>>
    %dma_wait3A_361 = tpu.memref_squeeze %dma_wait3A_360 : memref<1x128x64xf32, #tpu.memory_space<vmem>> -> memref<128x64xf32, #tpu.memory_space<vmem>>
    tpu.wait_dma2 semaphore(%arg17 : memref<!tpu.dma_semaphore, #tpu.memory_space<semaphore_mem>>) src(%dma_wait3A_361 : memref<128x64xf32, #tpu.memory_space<vmem>>) dst(%dma_wait3A_357 : memref<128x64xf32, #tpu.memory_space<hbm>>)
    %add3A_362 = arith.constant 24960 : i32
    %add3A_363 = arith.addi %mul3A_2, %add3A_362 : i32
    %dma_wait3A_364 = arith.constant 3 : i32
    %dma_wait3A_365 = arith.constant 0 : i32
    %dma_wait3A_366 = arith.constant 0 : i32
    %dma_wait3A_367 = tpu.memref_slice %arg6[%dma_wait3A_364, %dma_wait3A_365, %dma_wait3A_366] : memref<8x128x64xf32, #tpu.memory_space<vmem>> -> memref<1x128x64xf32, #tpu.memory_space<vmem>>
    %dma_wait3A_368 = tpu.memref_squeeze %dma_wait3A_367 : memref<1x128x64xf32, #tpu.memory_space<vmem>> -> memref<128x64xf32, #tpu.memory_space<vmem>>
    %dma_wait3A_369 = arith.constant 0 : i32
    %dma_wait3A_370 = tpu.memref_slice %arg4[%add3A_363, %dma_wait3A_369] : memref<819200x64xf32, #tpu.memory_space<hbm>> -> memref<128x64xf32, #tpu.memory_space<hbm>>
    %dma_wait3A_371 = arith.constant 0 : i32
    %dma_wait3A_372 = tpu.memref_slice %arg4[%add3A_363, %dma_wait3A_371] : memref<819200x64xf32, #tpu.memory_space<hbm>> -> memref<128x64xf32, #tpu.memory_space<hbm>>
    %dma_wait3A_373 = arith.constant 0 : i32
    %dma_wait3A_374 = arith.constant 0 : i32
    %dma_wait3A_375 = tpu.memref_slice %arg6[%dma_wait3A_364, %dma_wait3A_373, %dma_wait3A_374] : memref<8x128x64xf32, #tpu.memory_space<vmem>> -> memref<1x128x64xf32, #tpu.memory_space<vmem>>
    %dma_wait3A_376 = tpu.memref_squeeze %dma_wait3A_375 : memref<1x128x64xf32, #tpu.memory_space<vmem>> -> memref<128x64xf32, #tpu.memory_space<vmem>>
    tpu.wait_dma2 semaphore(%arg18 : memref<!tpu.dma_semaphore, #tpu.memory_space<semaphore_mem>>) src(%dma_wait3A_376 : memref<128x64xf32, #tpu.memory_space<vmem>>) dst(%dma_wait3A_372 : memref<128x64xf32, #tpu.memory_space<hbm>>)
    %add3A_377 = arith.constant 25088 : i32
    %add3A_378 = arith.addi %mul3A_2, %add3A_377 : i32
    %dma_wait3A_379 = arith.constant 4 : i32
    %dma_wait3A_380 = arith.constant 0 : i32
    %dma_wait3A_381 = arith.constant 0 : i32
    %dma_wait3A_382 = tpu.memref_slice %arg6[%dma_wait3A_379, %dma_wait3A_380, %dma_wait3A_381] : memref<8x128x64xf32, #tpu.memory_space<vmem>> -> memref<1x128x64xf32, #tpu.memory_space<vmem>>
    %dma_wait3A_383 = tpu.memref_squeeze %dma_wait3A_382 : memref<1x128x64xf32, #tpu.memory_space<vmem>> -> memref<128x64xf32, #tpu.memory_space<vmem>>
    %dma_wait3A_384 = arith.constant 0 : i32
    %dma_wait3A_385 = tpu.memref_slice %arg4[%add3A_378, %dma_wait3A_384] : memref<819200x64xf32, #tpu.memory_space<hbm>> -> memref<128x64xf32, #tpu.memory_space<hbm>>
    %dma_wait3A_386 = arith.constant 0 : i32
    %dma_wait3A_387 = tpu.memref_slice %arg4[%add3A_378, %dma_wait3A_386] : memref<819200x64xf32, #tpu.memory_space<hbm>> -> memref<128x64xf32, #tpu.memory_space<hbm>>
    %dma_wait3A_388 = arith.constant 0 : i32
    %dma_wait3A_389 = arith.constant 0 : i32
    %dma_wait3A_390 = tpu.memref_slice %arg6[%dma_wait3A_379, %dma_wait3A_388, %dma_wait3A_389] : memref<8x128x64xf32, #tpu.memory_space<vmem>> -> memref<1x128x64xf32, #tpu.memory_space<vmem>>
    %dma_wait3A_391 = tpu.memref_squeeze %dma_wait3A_390 : memref<1x128x64xf32, #tpu.memory_space<vmem>> -> memref<128x64xf32, #tpu.memory_space<vmem>>
    tpu.wait_dma2 semaphore(%arg19 : memref<!tpu.dma_semaphore, #tpu.memory_space<semaphore_mem>>) src(%dma_wait3A_391 : memref<128x64xf32, #tpu.memory_space<vmem>>) dst(%dma_wait3A_387 : memref<128x64xf32, #tpu.memory_space<hbm>>)
    %add3A_392 = arith.constant 25216 : i32
    %add3A_393 = arith.addi %mul3A_2, %add3A_392 : i32
    %dma_wait3A_394 = arith.constant 5 : i32
    %dma_wait3A_395 = arith.constant 0 : i32
    %dma_wait3A_396 = arith.constant 0 : i32
    %dma_wait3A_397 = tpu.memref_slice %arg6[%dma_wait3A_394, %dma_wait3A_395, %dma_wait3A_396] : memref<8x128x64xf32, #tpu.memory_space<vmem>> -> memref<1x128x64xf32, #tpu.memory_space<vmem>>
    %dma_wait3A_398 = tpu.memref_squeeze %dma_wait3A_397 : memref<1x128x64xf32, #tpu.memory_space<vmem>> -> memref<128x64xf32, #tpu.memory_space<vmem>>
    %dma_wait3A_399 = arith.constant 0 : i32
    %dma_wait3A_400 = tpu.memref_slice %arg4[%add3A_393, %dma_wait3A_399] : memref<819200x64xf32, #tpu.memory_space<hbm>> -> memref<128x64xf32, #tpu.memory_space<hbm>>
    %dma_wait3A_401 = arith.constant 0 : i32
    %dma_wait3A_402 = tpu.memref_slice %arg4[%add3A_393, %dma_wait3A_401] : memref<819200x64xf32, #tpu.memory_space<hbm>> -> memref<128x64xf32, #tpu.memory_space<hbm>>
    %dma_wait3A_403 = arith.constant 0 : i32
    %dma_wait3A_404 = arith.constant 0 : i32
    %dma_wait3A_405 = tpu.memref_slice %arg6[%dma_wait3A_394, %dma_wait3A_403, %dma_wait3A_404] : memref<8x128x64xf32, #tpu.memory_space<vmem>> -> memref<1x128x64xf32, #tpu.memory_space<vmem>>
    %dma_wait3A_406 = tpu.memref_squeeze %dma_wait3A_405 : memref<1x128x64xf32, #tpu.memory_space<vmem>> -> memref<128x64xf32, #tpu.memory_space<vmem>>
    tpu.wait_dma2 semaphore(%arg20 : memref<!tpu.dma_semaphore, #tpu.memory_space<semaphore_mem>>) src(%dma_wait3A_406 : memref<128x64xf32, #tpu.memory_space<vmem>>) dst(%dma_wait3A_402 : memref<128x64xf32, #tpu.memory_space<hbm>>)
    %add3A_407 = arith.constant 25344 : i32
    %add3A_408 = arith.addi %mul3A_2, %add3A_407 : i32
    %dma_wait3A_409 = arith.constant 6 : i32
    %dma_wait3A_410 = arith.constant 0 : i32
    %dma_wait3A_411 = arith.constant 0 : i32
    %dma_wait3A_412 = tpu.memref_slice %arg6[%dma_wait3A_409, %dma_wait3A_410, %dma_wait3A_411] : memref<8x128x64xf32, #tpu.memory_space<vmem>> -> memref<1x128x64xf32, #tpu.memory_space<vmem>>
    %dma_wait3A_413 = tpu.memref_squeeze %dma_wait3A_412 : memref<1x128x64xf32, #tpu.memory_space<vmem>> -> memref<128x64xf32, #tpu.memory_space<vmem>>
    %dma_wait3A_414 = arith.constant 0 : i32
    %dma_wait3A_415 = tpu.memref_slice %arg4[%add3A_408, %dma_wait3A_414] : memref<819200x64xf32, #tpu.memory_space<hbm>> -> memref<128x64xf32, #tpu.memory_space<hbm>>
    %dma_wait3A_416 = arith.constant 0 : i32
    %dma_wait3A_417 = tpu.memref_slice %arg4[%add3A_408, %dma_wait3A_416] : memref<819200x64xf32, #tpu.memory_space<hbm>> -> memref<128x64xf32, #tpu.memory_space<hbm>>
    %dma_wait3A_418 = arith.constant 0 : i32
    %dma_wait3A_419 = arith.constant 0 : i32
    %dma_wait3A_420 = tpu.memref_slice %arg6[%dma_wait3A_409, %dma_wait3A_418, %dma_wait3A_419] : memref<8x128x64xf32, #tpu.memory_space<vmem>> -> memref<1x128x64xf32, #tpu.memory_space<vmem>>
    %dma_wait3A_421 = tpu.memref_squeeze %dma_wait3A_420 : memref<1x128x64xf32, #tpu.memory_space<vmem>> -> memref<128x64xf32, #tpu.memory_space<vmem>>
    tpu.wait_dma2 semaphore(%arg21 : memref<!tpu.dma_semaphore, #tpu.memory_space<semaphore_mem>>) src(%dma_wait3A_421 : memref<128x64xf32, #tpu.memory_space<vmem>>) dst(%dma_wait3A_417 : memref<128x64xf32, #tpu.memory_space<hbm>>)
    %add3A_422 = arith.constant 25472 : i32
    %add3A_423 = arith.addi %mul3A_2, %add3A_422 : i32
    %dma_wait3A_424 = arith.constant 7 : i32
    %dma_wait3A_425 = arith.constant 0 : i32
    %dma_wait3A_426 = arith.constant 0 : i32
    %dma_wait3A_427 = tpu.memref_slice %arg6[%dma_wait3A_424, %dma_wait3A_425, %dma_wait3A_426] : memref<8x128x64xf32, #tpu.memory_space<vmem>> -> memref<1x128x64xf32, #tpu.memory_space<vmem>>
    %dma_wait3A_428 = tpu.memref_squeeze %dma_wait3A_427 : memref<1x128x64xf32, #tpu.memory_space<vmem>> -> memref<128x64xf32, #tpu.memory_space<vmem>>
    %dma_wait3A_429 = arith.constant 0 : i32
    %dma_wait3A_430 = tpu.memref_slice %arg4[%add3A_423, %dma_wait3A_429] : memref<819200x64xf32, #tpu.memory_space<hbm>> -> memref<128x64xf32, #tpu.memory_space<hbm>>
    %dma_wait3A_431 = arith.constant 0 : i32
    %dma_wait3A_432 = tpu.memref_slice %arg4[%add3A_423, %dma_wait3A_431] : memref<819200x64xf32, #tpu.memory_space<hbm>> -> memref<128x64xf32, #tpu.memory_space<hbm>>
    %dma_wait3A_433 = arith.constant 0 : i32
    %dma_wait3A_434 = arith.constant 0 : i32
    %dma_wait3A_435 = tpu.memref_slice %arg6[%dma_wait3A_424, %dma_wait3A_433, %dma_wait3A_434] : memref<8x128x64xf32, #tpu.memory_space<vmem>> -> memref<1x128x64xf32, #tpu.memory_space<vmem>>
    %dma_wait3A_436 = tpu.memref_squeeze %dma_wait3A_435 : memref<1x128x64xf32, #tpu.memory_space<vmem>> -> memref<128x64xf32, #tpu.memory_space<vmem>>
    tpu.wait_dma2 semaphore(%arg22 : memref<!tpu.dma_semaphore, #tpu.memory_space<semaphore_mem>>) src(%dma_wait3A_436 : memref<128x64xf32, #tpu.memory_space<vmem>>) dst(%dma_wait3A_432 : memref<128x64xf32, #tpu.memory_space<hbm>>)
    return
  }
}

</mosaic_0001>

<sc_bundles>
// kernel: kernel.3.cloned.1.call-start
scs
__scs_entry_jumppad:
0x0: {  	(pc) =	sbr.rel $0x88, $3  }
0x1: {  	(tag) =	ssettag $0x0;
	lr =	simm.s32 $0x1  }
0x2: {  	[smem:$0x3F9F] =	sst lr;
	_ =	strace $0xD0000000  }
0x3: {  	_ = 	snop  }
0x4: {  	_ = 	snop  }
0x5: {  	_ = 	snop  }
0x6: {  	_ = 	snop  }
0x7: {  	_ = 	snop  }
__scs_overlays_trampoline_lowered:
0x8: {  	[smem:$0x3FAE] =	sst s0  }
0x9: {  	[smem:$0x3FAF] =	sst s1  }
0xa: {  	[smem:$0x3FB0] =	sst s2  }
0xb: {  	[smem:$0x3FB1] =	sst s3  }
0xc: {  	[smem:$0x3FB2] =	sst s4  }
0xd: {  	[smem:$0x3FB3] =	sst s5  }
0xe: {  	[smem:$0x3FB4] =	sst s6  }
0xf: {  	[smem:$0x3FB5] =	sst s7  }
0x10: {  	[smem:$0x3FB6] =	sst s8  }
0x11: {  	[smem:$0x3FB7] =	sst s9;
	s0 =	simm.s32 @!p0 $0x0  }
0x12: {  	s1 =	sld [smem:$0x3F9D];
	s0 =	simm.s32 @p0 $0x1  }
0x13: {  	[smem:$0x3FB8] =	sst s0;
	s0 =	simm.s32 @!p1 $0x0  }
0x14: {  	s2 =	sld [smem:$0x3F9C];
	s0 =	simm.s32 @p1 $0x1  }
0x15: {  	[smem:$0x3FB9] =	sst s0;
	s0 =	simm.s32 @!p2 $0x0  }
0x16: {  	s3 =	sld [smem:$0x3FDB];
	s0 =	simm.s32 @p2 $0x1  }
0x17: {  	s4 =	simm.s32 $0x1BF5;
	[smem:$0x3FBB] =	sst s0  }
0x18: {  	s0 =	sld [smem:$0x3F9E];
	_ =	swait.ge [sflag:s4], $0x0  }
0x19: {  	s7 =	sld [smem:$0x3F9F]  }
0x1a: {  	s8 =	sadd.s32 $0xFFFFE003, lr  }
0x1b: {  	s9 =	sadd.s32 $0xFFFFFEF7, lr;
	s5 =	simm.s32 $0xFFFFFFFF;
	p2 =	slt.u32 s8, $0xFFFFF086  }
0x1c: {  	p1 =	slt.u32 s9, $0xF7A;
	s5 =	simm.s32 @!p2 $0x0  }
0x1d: {  	s5 =	simm.s32 @p1 $0x1;
	p0 =	seq.s32 s7, s2  }
0x1e: {  	s7 =	smul.u32 @!p0 $0xF7A, s2;
	p2 =	seq.s32 @!p0 s5, $0x0  }
0x1f: {  	s9 =	smul.u32 $0xF7A, s1;
	s8 =	simm.s32 @!p0 $0x1BF5;
	p2 =	por !p2, p0  }
0x20: {  	[sflag:s8] =	ssyncset.s32 @!p0 $0xFFFFF086;
	s6 =	sadd.s32 @!p0 s3, s7;
	s7 =	simm.s32 @!p0 $0x108  }
0x21: {  	s3 =	sadd.s32 s3, s9;
	s6 =	sadd.s32 @!p0 $0x88, s6;
	s7 =	simm.s32 @p2 $0x1082  }
0x22: {  	[simem:s7], [sflag:s8] =	dma.local @!p0 [hbm:s6], $0xF7A  }
0x23: {  	s9 =	sor.u32 $0xD0000000, s2;
	s6 =	simm.s32 $0x108;
	_ =	swait.ge @!p0 [sflag:s8], $0x0  }
0x24: {  	s3 =	sadd.s32 $0x88, s3;
	s6 =	simm.s32 @!p1 $0x1082;
	[sflag:s4] =	ssyncset.s32 $0xFFFFF086  }
0x25: {  	[simem:s6], [sflag:s4] =	dma.local [hbm:s3], $0xF7A  }
0x26: {  	[smem:$0x3F9F] =	sst s1;
	(tag) =	ssettag s2;
	_ =	strace s9  }
0x27: {  	s1 =	sld [smem:$0x3FAF]  }
0x28: {  	s2 =	sld [smem:$0x3FB0]  }
0x29: {  	s4 =	sld [smem:$0x3FB2]  }
0x2a: {  	p0 =	seq.s32 s5, $0x0;
	s5 =	sld [smem:$0x3FB3]  }
0x2b: {  	s6 =	sld [smem:$0x3FB4]  }
0x2c: {  	s7 =	sld [smem:$0x3FB5]  }
0x2d: {  	s3 =	simm.s32 $0x108;
	s8 =	sld [smem:$0x3FB6]  }
0x2e: {  	s3 =	simm.s32 @!p0 $0x1082;
	s9 =	sld [smem:$0x3FB7]  }
0x2f: {  	lr =	sadd.s32 s0, s3;
	s0 =	sld [smem:$0x3FAE]  }
0x30: {  	s3 =	sld [smem:$0x3FB1]  }
0x31: {  	[smem:$0x3FBA] =	sst s10  }
0x32: {  	s10 =	sld [smem:$0x3FB8];
	_ =	sdelay $0x3  }
0x33: {  	p0 =	seq.s32 s10, $0x1;
	s10 =	sld [smem:$0x3FBA];
	_ =	sdelay $0x3  }
0x34: {  	[smem:$0x3FBA] =	sst s10  }
0x35: {  	s10 =	sld [smem:$0x3FB9];
	_ =	sdelay $0x3  }
0x36: {  	p1 =	seq.s32 s10, $0x1;
	s10 =	sld [smem:$0x3FBA];
	_ =	sdelay $0x3  }
0x37: {  	[smem:$0x3FBA] =	sst s10  }
0x38: {  	s10 =	sld [smem:$0x3FBB]  }
0x39: {  	_ = 	snop;
	(pc) =	sbr.ind lr, $3  }
0x3a: {  	_ = 	snop  }
0x3b: {  	_ = 	snop  }
0x3c: {  	p2 =	seq.s32 s10, $0x1;
	s10 =	sld [smem:$0x3FBA]  }
0x3d: {  	_ =	shalt  }
0x3e: {  	_ =	shalt  }
0x3f: {  	_ =	shalt  }
0x40: {  	_ =	shalt  }
0x41: {  	_ =	shalt  }
0x42: {  	_ =	shalt  }
0x43: {  	_ =	shalt  }
0x44: {  	_ =	shalt  }
0x45: {  	_ =	shalt  }
0x46: {  	_ =	shalt  }
0x47: {  	_ =	shalt  }
0x48: {  	_ =	shalt  }
0x49: {  	_ =	shalt  }
0x4a: {  	_ =	shalt  }
0x4b: {  	_ =	shalt  }
0x4c: {  	_ =	shalt  }
0x4d: {  	_ =	shalt  }
0x4e: {  	_ =	shalt  }
0x4f: {  	_ =	shalt  }
0x50: {  	_ =	shalt  }
0x51: {  	_ =	shalt  }
0x52: {  	_ =	shalt  }
0x53: {  	_ =	shalt  }
0x54: {  	_ =	shalt  }
0x55: {  	_ =	shalt  }
0x56: {  	_ =	shalt  }
0x57: {  	_ =	shalt  }
0x58: {  	_ =	shalt  }
0x59: {  	_ =	shalt  }
0x5a: {  	_ =	shalt  }
0x5b: {  	_ =	shalt  }
0x5c: {  	_ =	shalt  }
0x5d: {  	_ =	shalt  }
0x5e: {  	_ =	shalt  }
0x5f: {  	_ =	shalt  }
0x60: {  	_ =	shalt  }
0x61: {  	_ =	shalt  }
0x62: {  	_ =	shalt  }
0x63: {  	_ =	shalt  }
0x64: {  	_ =	shalt  }
0x65: {  	_ =	shalt  }
0x66: {  	_ =	shalt  }
0x67: {  	_ =	shalt  }
0x68: {  	_ =	shalt  }
0x69: {  	_ =	shalt  }
0x6a: {  	_ =	shalt  }
0x6b: {  	_ =	shalt  }
0x6c: {  	_ =	shalt  }
0x6d: {  	_ =	shalt  }
0x6e: {  	_ =	shalt  }
0x6f: {  	_ =	shalt  }
0x70: {  	_ =	shalt  }
0x71: {  	_ =	shalt  }
0x72: {  	_ =	shalt  }
0x73: {  	_ =	shalt  }
0x74: {  	_ =	shalt  }
0x75: {  	_ =	shalt  }
0x76: {  	_ =	shalt  }
0x77: {  	_ =	shalt  }
0x78: {  	_ =	shalt  }
0x79: {  	_ =	shalt  }
0x7a: {  	_ =	shalt  }
0x7b: {  	_ =	shalt  }
0x7c: {  	_ =	shalt  }
0x7d: {  	_ =	shalt  }
0x7e: {  	_ =	shalt  }
0x7f: {  	_ =	shalt  }
0x80: {  	_ =	shalt  }
0x81: {  	_ =	shalt  }
0x82: {  	_ =	shalt  }
0x83: {  	_ =	shalt  }
0x84: {  	_ =	shalt  }
0x85: {  	_ =	shalt  }
0x86: {  	_ =	shalt  }
0x87: {  	_ =	shalt  }
.Lfunc_end0:
.L_simem_size_0:
called_computation.1_lowered:
.L_overlay_start_0:
0x88: {  	s2 =	sld [smem:$0x3FD9]  }
0x89: {  	s3 =	sld [smem:$0x3FFE];
	_ =	sdelay $0x1  }
0x8a: {  	s1 =	srdreg.scid  }
0x8b: {  	s0 =	sand.u32 $0x1, s1  }
0x8c: {  	s17 =	sshll.u32 s0, $0xA;
	s2 =	sadd.s32 s3, s2  }
0x8d: {  	s2 =	sadd.s32 s2, s17  }
0x8e: {  	[smem:$0x3FC6] =	sst s2  }
0x8f: {  	_ = 	snop  }
0x90: {  	s2 =	sld [smem:$0x3FD0];
	(tm) =	ssettm $0x1  }
0x91: {  	s18 =	sld [smem:$0x3FFB];
	_ =	sdelay $0x3  }
0x92: {  	_ =	strace s18  }
0x93: {  	s3 =	sld [smem:$0x3FFC];
	_ =	sdelay $0x3  }
0x94: {  	_ =	strace s3  }
0x95: {  	s3 =	sld [smem:$0x3FFD];
	_ =	sdelay $0x3  }
0x96: {  	_ =	strace s3  }
0x97: {  	_ =	strace $0x8FFFFFFF  }
0x98: {  	s19 =	sld [smem:$0x3FDB];
	_ =	sdelay $0x1  }
0x99: {  	s4 =	simm.s32 $_scs_section_size  }
0x9a: {  	s5 =	simm.s32 $_size__tile_overlayer_lowered;
	s6 =	simm.s32 $_tile_overlayer_lowered  }
0x9b: {  	s22 =	simm.s32 $0x1BFF;
	s21 =	sshll.u32 s6, $0x1;
	s3 =	sadd.s32 s4, s19  }
0x9c: {  	s7 =	simm.s32 $0x0;
	s20 =	sshll.u32 s5, $0x1;
	s5 =	sadd.s32 s21, s3  }
0x9d: {  	[timem:s7], [sflag:s22] =	dma.local [hbm:s5], s20  }
0x9e: {  	_ =	swait.ge [sflag:s22], s20  }
0x9f: {  	s4 =	ssub.s32 $0x0, s20;
	[sflag:s22] =	ssyncset.done $0x0  }
0xa0: {  	[sflag:s22] =	ssyncadd.s32 s4;
	_ =	sdelay $0x1  }
0xa1: {  	s23 =	simm.s32 $0x1B8B  }
0xa2: {  	_ =	swait.ge [sflag:s23], $0x1  }
0xa3: {  	[sflag:s23] =	ssyncset.done $0x0  }
0xa4: {  	s25 =	simm.s32 $0x1B8E;
	s24 =	sld [smem:$0x3FFE];
	[sflag:s23] =	ssyncadd.s32 $0xFFFFFFFF  }
0xa5: {  	s26 =	simm.s32 $execute0_lowered;
	[smem:$0x3FD2] =	sst s25  }
0xa6: {  	s5 =	sshll.u32 s26, $0x1;
	_ =	strace $0x80000046;
	[dreg:$0x1] =	wrdreg $0xFFFFFFFF  }
0xa7: {  	s28 =	simm.s32 $_size_execute0_lowered;
	s3 =	sadd.s32 s3, s5;
	[dreg:$0x0] =	wrdreg $0x0  }
0xa8: {  	s5 =	sshll.u32 s28, $0x1;
	[dreg:$0x2] =	wrdreg s3  }
0xa9: {  	[dreg:$0x3] =	wrdreg s5  }
0xaa: {  	[dreg:$0x4] =	wrdreg $0xC0  }
0xab: {  	_ =	task [dreg:s7], $0x5FFFF  }
0xac: {  	[dreg:$0x1] =	wrdreg $0xFFFFFFFF  }
0xad: {  	[dreg:$0x0] =	wrdreg $0x60  }
0xae: {  	[dreg:$0x2] =	wrdreg s24  }
0xaf: {  	[dreg:$0x3] =	wrdreg s2  }
0xb0: {  	[dreg:$0x4] =	wrdreg $0x9  }
0xb1: {  	_ =	task.clear_ibuf [dreg:s7], $0x5FFFF;
	_ =	strace $0x90000046  }
0xb2: {  	s29 =	simm.s32 $0x9;
	_ =	strace $0x80000048  }
0xb3: {  	_ =	swait.ge [sflag:s29], $0x1  }
0xb4: {  	[sflag:s29] =	ssyncadd.s32 $0xFFFFFFFF  }
0xb5: {  	_ =	strace $0x90000048  }
0xb6: {  	_ =	sfence  }
0xb7: {  	s30 =	sld [smem:$0x0];
	_ =	sdelay $0x2  }
0xb8: {  	s31 =	sshll.u32 s1, $0xD;
	s1 =	sshrl.u32 s1, $0x2  }
0xb9: {  	s3 =	sand.u32 $0x4000, s31;
	s1 =	sadd.s32 s1, s30  }
0xba: {  	s0 =	sor.u32 s3, s0;
	s1 =	sshll.u32 s1, $0x11  }
0xbb: {  	s0 =	sor.u32 s1, s0  }
0xbc: {  	s0 =	sadd.s32 $0x8F2B, s0  }
0xbd: {  	[sflag:s0] =	ssyncadd.remote.s32 $0x1  }
0xbe: {  	_ =	sfence.sel $0xFFFF  }
0xbf: {  	[dreg:$0x0] =	wrdreg $0xFFFFFFFF;
	(pc) =	sbr.abs _section_cstart, $3  }
0xc0: {  	[dreg:$0x1] =	wrdreg $0xFFFFFFFF  }
0xc1: {  	_ =	task.clear_ibuf [dreg:s7], $0x2FFFF;
	_ =	strace $0x9FFFFFFF  }
0xc2: {  	(tm) =	ssettm $0x7FFFFFFF  }
0xc3: {  	_ =	shalt  }
tec
execute0_lowered:
.L_overlay_start_1:
0x0: {  	(tag) =	ssettag $0x1  }
0x1: {  	s0 =	rddreg [dreg:$0x0]  }
0x2: {  	s1 =	srdreg.scid;
	s5 =	stileid.u32  }
0x3: {  	s10 =	rddreg [dreg:$0x1];
	s3 =	simm.s32 $0x0;
	s28 =	simm.s32 $0x10400  }
0x4: {  	s29 =	simm.s32 $0x2;
	s31 =	simm.s32 $0x12400;
	s30 =	simm.s32 $0xA  }
0x5: {  	s1 =	sand.u32 $0x1, s1;
	s2 =	sshll.u32 s5, $0x1;
	s5 =	smul.u32 $0xC800, s5  }
0x6: {  	s2 =	sor.u32 s1, s2;
	s6 =	ssub.s32 $0x2, s1;
	s1 =	smul.u32 $0x6400, s1  }
0x7: {  	s11 =	simm.s32 $0xE;
	[smem:$0x7FF] =	sst s3;
	s4 =	smul.u32 $0x6400, s2  }
0x8: {  	_ =	strace $0x80000047;
	s8 =	sshrl.u32 s6, $0x1;
	s9 =	smul.u32 $0x32000, s2  }
0x9: {  	s2 =	smul.u32 $0x190000, s2;
	s12 =	ssub.s32 s6, s8;
	s1 =	sadd.s32 s1, s5  }
0xa: {  	s5 =	simm.s32 $0xB;
	s8 =	simm.s32 $0xC;
	s14 =	sadd.s32 s10, s9  }
0xb: {  	s4 =	sshrl.u32 s4, $0x3;
	s15 =	sadd.s32 $0x400, s14;
	[dreg:$0xc] =	wrdreg s14  }
0xc: {  	s1 =	sshll.u32 s1, $0x3;
	s16 =	sadd.s32 $0x800, s14;
	[dreg:$0xd] =	wrdreg s15  }
0xd: {  	s2 =	sshrl.u32 s2, $0x3;
	s17 =	sor.u32 $0x1C00, s1;
	[dreg:$0xe] =	wrdreg s16  }
0xe: {  	s9 =	simm.s32 $0x8;
	s6 =	sadd.s32 $0xC00, s14;
	[dreg:$0x3] =	wrdreg s17  }
0xf: {  	s7 =	sadd.s32 s4, s0;
	s18 =	sor.u32 $0x1800, s1;
	[dreg:$0xf] =	wrdreg s6  }
0x10: {  	s4 =	sadd.s32 $0xF42E00, s0;
	s19 =	sor.u32 $0x1400, s1;
	[dreg:$0x4] =	wrdreg s18  }
0x11: {  	s20 =	sor.u32 $0x1000, s1;
	s2 =	sadd.s32 s10, s2;
	[dreg:$0x5] =	wrdreg s19  }
0x12: {  	s21 =	sadd.s32 $0x2C00, s1;
	s23 =	sadd.s32 $0x2800, s1;
	[dreg:$0x6] =	wrdreg s20  }
0x13: {  	s25 =	sadd.s32 $0x2400, s1;
	s1 =	sadd.s32 $0x2000, s1;
	[dreg:$0x7] =	wrdreg s21  }
0x14: {  	s0 =	smax.u32 s12, $0x1;
	s10 =	simm.s32 $0xD;
	[dreg:$0x8] =	wrdreg s23  }
0x15: {  	s12 =	simm.s32 $0xF;
	s13 =	sadd.s32 $0xA00, s7;
	[dreg:$0x9] =	wrdreg s25  }
0x16: {  	s22 =	sadd.s32 $0x31000, s2;
	s24 =	sadd.s32 $0x31400, s2;
	[dreg:$0x14] =	wrdreg s0  }
0x17: {  	s26 =	sadd.s32 $0x31800, s2;
	s2 =	sadd.s32 $0x31C00, s2;
	[dreg:$0xa] =	wrdreg s1  }
0x18: {  	s16 =	simm.s32 $0x80;
	s17 =	simm.s32 $0x6400;
	s18 =	simm.s32 $0x8400  }
0x19: {  	s20 =	simm.s32 $0xA400;
	s25 =	simm.s32 $0x1;
	[dreg:$0xb] =	wrdreg s13  }
0x1a: {  	s1 =	simm.s32 $0x3;
	s19 =	simm.s32 $0x14400;
	[dreg:$0x10] =	wrdreg s22  }
0x1b: {  	s21 =	simm.s32 $0x4;
	s23 =	simm.s32 $0x9;
	[dreg:$0x11] =	wrdreg s24  }
0x1c: {  	s0 =	simm.s32 $0x6;
	s7 =	simm.s32 $0x7;
	[dreg:$0x12] =	wrdreg s26  }
0x1d: {  	s6 =	simm.s32 $0x0;
	[dreg:$0x13] =	wrdreg s2;
	s22 =	simm.s32 $0xC400  }
0x1e: {  	s24 =	simm.s32 $0xE400;
	s26 =	simm.s32 $0x5;
	s13 =	simm.s32 $0x10  }
.LBB2_1:
0x1f: {  	[dreg:$0x15] =	wrdreg s6  }
0x20: {  	s2 =	rddreg [dreg:$0xb];
	s15 =	simm.s32 $0x11  }
0x21: {  	[tilespmem:s3], [sflag:$0x11] =	stream.linear.gather [hbm4b:s2+s3], $0x6400, $0x38;
	[tilespmem:$0x16400] =	vst v63  }
0x22: {  	_ =	swait.ge [sflag:s15], $0x6400  }
0x23: {  	[sflag:s15] =	ssyncset.done $0x0  }
0x24: {  	[sflag:s15] =	ssyncadd.s32 $0xFFFF9C00  }
0x25: {  	[tilespmem:s17], [sflag:$0x1] =	stream.indirect.gather [hbm4b:s4+s16], $0x40, s3, s16, $0xb8;
	[tilespmem:$0x16400] =	vst v63  }
0x26: {  	_ = 	snop  }
0x27: {  	[tilespmem:s18], [sflag:$0x2] =	stream.indirect.gather [hbm4b:s4+s16], $0x40, s16, s16, $0xb8;
	[tilespmem:$0x16400] =	vst v63  }
0x28: {  	s6 =	simm.s32 $0x100  }
0x29: {  	[tilespmem:s20], [sflag:$0x3] =	stream.indirect.gather [hbm4b:s4+s16], $0x40, s6, s16, $0xb8;
	[tilespmem:$0x16400] =	vst v63  }
0x2a: {  	s14 =	simm.s32 $0x180  }
0x2b: {  	[tilespmem:s22], [sflag:$0x4] =	stream.indirect.gather [hbm4b:s4+s16], $0x40, s14, s16, $0xb8;
	[tilespmem:$0x16400] =	vst v63  }
0x2c: {  	s15 =	simm.s32 $0x200  }
0x2d: {  	[tilespmem:s24], [sflag:$0x5] =	stream.indirect.gather [hbm4b:s4+s16], $0x40, s15, s16, $0xb8;
	[tilespmem:$0x16400] =	vst v63  }
0x2e: {  	_ =	swait.ge [sflag:s25], $0x2000  }
0x2f: {  	[sflag:s25] =	ssyncset.done $0x0  }
0x30: {  	s6 =	rddreg [dreg:$0xc];
	[sflag:s25] =	ssyncadd.s32 $0xFFFFE000  }
0x31: {  	[hbm4b:s6+s3] =	stream.linear.scatter [tilespmem:s17], [sflag:$0x9], $0x2000, $0x38;
	[tilespmem:$0x16400] =	vst v63  }
0x32: {  	s14 =	simm.s32 $0x280  }
0x33: {  	[tilespmem:s28], [sflag:$0x6] =	stream.indirect.gather [hbm4b:s4+s16], $0x40, s14, s16, $0xb8;
	[tilespmem:$0x16400] =	vst v63  }
0x34: {  	_ =	swait.ge [sflag:s29], $0x2000  }
0x35: {  	[sflag:s29] =	ssyncset.done $0x0  }
0x36: {  	s15 =	rddreg [dreg:$0xd];
	[sflag:s29] =	ssyncadd.s32 $0xFFFFE000  }
0x37: {  	[hbm4b:s15+s3] =	stream.linear.scatter [tilespmem:s18], [sflag:$0xA], $0x2000, $0x38;
	[tilespmem:$0x16400] =	vst v63  }
0x38: {  	s6 =	simm.s32 $0x300  }
0x39: {  	[tilespmem:s31], [sflag:$0x7] =	stream.indirect.gather [hbm4b:s4+s16], $0x40, s6, s16, $0xb8;
	[tilespmem:$0x16400] =	vst v63  }
0x3a: {  	_ =	swait.ge [sflag:s1], $0x2000  }
0x3b: {  	[sflag:s1] =	ssyncset.done $0x0  }
0x3c: {  	s14 =	rddreg [dreg:$0xe];
	[sflag:s1] =	ssyncadd.s32 $0xFFFFE000  }
0x3d: {  	[hbm4b:s14+s3] =	stream.linear.scatter [tilespmem:s20], [sflag:$0xB], $0x2000, $0x38;
	[tilespmem:$0x16400] =	vst v63  }
0x3e: {  	s15 =	simm.s32 $0x380  }
0x3f: {  	[tilespmem:s19], [sflag:$0x8] =	stream.indirect.gather [hbm4b:s4+s16], $0x40, s15, s16, $0xb8;
	[tilespmem:$0x16400] =	vst v63  }
0x40: {  	_ =	swait.ge [sflag:s21], $0x2000  }
0x41: {  	[sflag:s21] =	ssyncset.done $0x0  }
0x42: {  	s6 =	rddreg [dreg:$0xf];
	[sflag:s21] =	ssyncadd.s32 $0xFFFFE000  }
0x43: {  	[hbm4b:s6+s3] =	stream.linear.scatter [tilespmem:s22], [sflag:$0xC], $0x2000, $0x38;
	[tilespmem:$0x16400] =	vst v63  }
0x44: {  	_ =	swait.ge [sflag:s23], $0x2000  }
0x45: {  	[sflag:s23] =	ssyncset.done $0x0  }
0x46: {  	s14 =	simm.s32 $0x400;
	[sflag:s23] =	ssyncadd.s32 $0xFFFFE000  }
0x47: {  	[tilespmem:s17], [sflag:$0x1] =	stream.indirect.gather [hbm4b:s4+s16], $0x40, s14, s16, $0xb8;
	[tilespmem:$0x16400] =	vst v63  }
0x48: {  	_ =	swait.ge [sflag:s26], $0x2000  }
0x49: {  	[sflag:s26] =	ssyncset.done $0x0  }
0x4a: {  	s15 =	rddreg [dreg:$0x6];
	[sflag:s26] =	ssyncadd.s32 $0xFFFFE000  }
0x4b: {  	s14 =	rddreg [dreg:$0x1]  }
0x4c: {  	s2 =	sadd.s32 s14, s15  }
0x4d: {  	[hbm4b:s2+s3] =	stream.linear.scatter [tilespmem:s24], [sflag:$0xD], $0x2000, $0x38;
	[tilespmem:$0x16400] =	vst v63  }
0x4e: {  	_ =	swait.ge [sflag:s30], $0x2000  }
0x4f: {  	[sflag:s30] =	ssyncset.done $0x0  }
0x50: {  	s6 =	simm.s32 $0x480;
	[sflag:s30] =	ssyncadd.s32 $0xFFFFE000  }
0x51: {  	[tilespmem:s18], [sflag:$0x2] =	stream.indirect.gather [hbm4b:s4+s16], $0x40, s6, s16, $0xb8;
	[tilespmem:$0x16400] =	vst v63  }
0x52: {  	_ =	swait.ge [sflag:s0], $0x2000  }
0x53: {  	s15 =	rddreg [dreg:$0x5];
	[sflag:s0] =	ssyncset.done $0x0  }
0x54: {  	[sflag:s0] =	ssyncadd.s32 $0xFFFFE000;
	s2 =	sadd.s32 s14, s15  }
0x55: {  	[hbm4b:s2+s3] =	stream.linear.scatter [tilespmem:s28], [sflag:$0xE], $0x2000, $0x38;
	[tilespmem:$0x16400] =	vst v63  }
0x56: {  	_ =	swait.ge [sflag:s5], $0x2000  }
0x57: {  	[sflag:s5] =	ssyncset.done $0x0  }
0x58: {  	s6 =	simm.s32 $0x500;
	[sflag:s5] =	ssyncadd.s32 $0xFFFFE000  }
0x59: {  	[tilespmem:s20], [sflag:$0x3] =	stream.indirect.gather [hbm4b:s4+s16], $0x40, s6, s16, $0xb8;
	[tilespmem:$0x16400] =	vst v63  }
0x5a: {  	_ =	swait.ge [sflag:s7], $0x2000  }
0x5b: {  	s15 =	rddreg [dreg:$0x4];
	[sflag:s7] =	ssyncset.done $0x0  }
0x5c: {  	[sflag:s7] =	ssyncadd.s32 $0xFFFFE000;
	s2 =	sadd.s32 s14, s15  }
0x5d: {  	[hbm4b:s2+s3] =	stream.linear.scatter [tilespmem:s31], [sflag:$0xF], $0x2000, $0x38;
	[tilespmem:$0x16400] =	vst v63  }
0x5e: {  	_ =	swait.ge [sflag:s8], $0x2000  }
0x5f: {  	[sflag:s8] =	ssyncset.done $0x0  }
0x60: {  	s6 =	simm.s32 $0x580;
	[sflag:s8] =	ssyncadd.s32 $0xFFFFE000  }
0x61: {  	[tilespmem:s22], [sflag:$0x4] =	stream.indirect.gather [hbm4b:s4+s16], $0x40, s6, s16, $0xb8;
	[tilespmem:$0x16400] =	vst v63  }
0x62: {  	_ =	swait.ge [sflag:s9], $0x2000  }
0x63: {  	s15 =	rddreg [dreg:$0x3];
	[sflag:s9] =	ssyncset.done $0x0  }
0x64: {  	[sflag:s9] =	ssyncadd.s32 $0xFFFFE000;
	s2 =	sadd.s32 s14, s15  }
0x65: {  	[hbm4b:s2+s3] =	stream.linear.scatter [tilespmem:s19], [sflag:$0x10], $0x2000, $0x38;
	[tilespmem:$0x16400] =	vst v63  }
0x66: {  	_ =	swait.ge [sflag:s10], $0x2000  }
0x67: {  	[sflag:s10] =	ssyncset.done $0x0  }
0x68: {  	s6 =	simm.s32 $0x600;
	[sflag:s10] =	ssyncadd.s32 $0xFFFFE000  }
0x69: {  	[tilespmem:s24], [sflag:$0x5] =	stream.indirect.gather [hbm4b:s4+s16], $0x40, s6, s16, $0xb8;
	[tilespmem:$0x16400] =	vst v63  }
0x6a: {  	_ =	swait.ge [sflag:s25], $0x2000  }
0x6b: {  	s15 =	rddreg [dreg:$0xa];
	[sflag:s25] =	ssyncset.done $0x0  }
0x6c: {  	[sflag:s25] =	ssyncadd.s32 $0xFFFFE000;
	s2 =	sadd.s32 s14, s15  }
0x6d: {  	[hbm4b:s2+s3] =	stream.linear.scatter [tilespmem:s17], [sflag:$0x9], $0x2000, $0x38;
	[tilespmem:$0x16400] =	vst v63  }
0x6e: {  	_ =	swait.ge [sflag:s11], $0x2000  }
0x6f: {  	[sflag:s11] =	ssyncset.done $0x0  }
0x70: {  	s6 =	simm.s32 $0x680;
	[sflag:s11] =	ssyncadd.s32 $0xFFFFE000  }
0x71: {  	[tilespmem:s28], [sflag:$0x6] =	stream.indirect.gather [hbm4b:s4+s16], $0x40, s6, s16, $0xb8;
	[tilespmem:$0x16400] =	vst v63  }
0x72: {  	_ =	swait.ge [sflag:s29], $0x2000  }
0x73: {  	s15 =	rddreg [dreg:$0x9];
	[sflag:s29] =	ssyncset.done $0x0  }
0x74: {  	[sflag:s29] =	ssyncadd.s32 $0xFFFFE000;
	s2 =	sadd.s32 s14, s15  }
0x75: {  	[hbm4b:s2+s3] =	stream.linear.scatter [tilespmem:s18], [sflag:$0xA], $0x2000, $0x38;
	[tilespmem:$0x16400] =	vst v63  }
0x76: {  	_ =	swait.ge [sflag:s12], $0x2000  }
0x77: {  	[sflag:s12] =	ssyncset.done $0x0  }
0x78: {  	s6 =	simm.s32 $0x700;
	[sflag:s12] =	ssyncadd.s32 $0xFFFFE000  }
0x79: {  	[tilespmem:s31], [sflag:$0x7] =	stream.indirect.gather [hbm4b:s4+s16], $0x40, s6, s16, $0xb8;
	[tilespmem:$0x16400] =	vst v63  }
0x7a: {  	_ =	swait.ge [sflag:s1], $0x2000  }
0x7b: {  	s15 =	rddreg [dreg:$0x8];
	[sflag:s1] =	ssyncset.done $0x0  }
0x7c: {  	[sflag:s1] =	ssyncadd.s32 $0xFFFFE000;
	s2 =	sadd.s32 s14, s15  }
0x7d: {  	[hbm4b:s2+s3] =	stream.linear.scatter [tilespmem:s20], [sflag:$0xB], $0x2000, $0x38;
	[tilespmem:$0x16400] =	vst v63  }
0x7e: {  	_ =	swait.ge [sflag:s13], $0x2000  }
0x7f: {  	[sflag:s13] =	ssyncset.done $0x0  }
0x80: {  	s6 =	simm.s32 $0x780;
	[sflag:s13] =	ssyncadd.s32 $0xFFFFE000  }
0x81: {  	[tilespmem:s19], [sflag:$0x8] =	stream.indirect.gather [hbm4b:s4+s16], $0x40, s6, s16, $0xb8;
	[tilespmem:$0x16400] =	vst v63  }
0x82: {  	_ =	swait.ge [sflag:s21], $0x2000  }
0x83: {  	s6 =	simm.s32 $0x1000;
	s15 =	rddreg [dreg:$0x7];
	[sflag:s21] =	ssyncset.done $0x0  }
0x84: {  	[sflag:s21] =	ssyncadd.s32 $0xFFFFE000;
	s2 =	sadd.s32 s14, s15;
	s15 =	sadd.s32 $0x2000, s14  }
.LBB2_2:
0x85: {  	[hbm4b:s2+s3] =	stream.linear.scatter [tilespmem:s22], [sflag:$0xC], $0x2000, $0x38;
	[tilespmem:$0x16400] =	vst v63  }
0x86: {  	s14 =	smov.u32 s6;
	_ =	swait.ge [sflag:s23], $0x2000  }
0x87: {  	s2 =	sshra.s32 s14, $0x2;
	[sflag:s23] =	ssyncset.done $0x0  }
0x88: {  	s14 =	sadd.s32 $0x400, s2;
	[sflag:s23] =	ssyncadd.s32 $0xFFFFE000  }
0x89: {  	[tilespmem:s17], [sflag:$0x1] =	stream.indirect.gather [hbm4b:s4+s16], $0x40, s14, s16, $0xb8;
	[tilespmem:$0x16400] =	vst v63  }
0x8a: {  	_ =	swait.ge [sflag:s26], $0x2000  }
0x8b: {  	s14 =	rddreg [dreg:$0x6];
	[sflag:s26] =	ssyncset.done $0x0  }
0x8c: {  	[sflag:s26] =	ssyncadd.s32 $0xFFFFE000;
	s14 =	sadd.s32 s15, s14  }
0x8d: {  	[hbm4b:s14+s3] =	stream.linear.scatter [tilespmem:s24], [sflag:$0xD], $0x2000, $0x38;
	[tilespmem:$0x16400] =	vst v63  }
0x8e: {  	_ =	swait.ge [sflag:s30], $0x2000  }
0x8f: {  	[sflag:s30] =	ssyncset.done $0x0  }
0x90: {  	s14 =	sadd.s32 $0x480, s2;
	[sflag:s30] =	ssyncadd.s32 $0xFFFFE000  }
0x91: {  	[tilespmem:s18], [sflag:$0x2] =	stream.indirect.gather [hbm4b:s4+s16], $0x40, s14, s16, $0xb8;
	[tilespmem:$0x16400] =	vst v63  }
0x92: {  	_ =	swait.ge [sflag:s0], $0x2000  }
0x93: {  	s14 =	rddreg [dreg:$0x5];
	[sflag:s0] =	ssyncset.done $0x0  }
0x94: {  	[sflag:s0] =	ssyncadd.s32 $0xFFFFE000;
	s14 =	sadd.s32 s15, s14  }
0x95: {  	[hbm4b:s14+s3] =	stream.linear.scatter [tilespmem:s28], [sflag:$0xE], $0x2000, $0x38;
	[tilespmem:$0x16400] =	vst v63  }
0x96: {  	_ =	swait.ge [sflag:s5], $0x2000  }
0x97: {  	[sflag:s5] =	ssyncset.done $0x0  }
0x98: {  	s14 =	sadd.s32 $0x500, s2;
	[sflag:s5] =	ssyncadd.s32 $0xFFFFE000  }
0x99: {  	[tilespmem:s20], [sflag:$0x3] =	stream.indirect.gather [hbm4b:s4+s16], $0x40, s14, s16, $0xb8;
	[tilespmem:$0x16400] =	vst v63  }
0x9a: {  	_ =	swait.ge [sflag:s7], $0x2000  }
0x9b: {  	s14 =	rddreg [dreg:$0x4];
	[sflag:s7] =	ssyncset.done $0x0  }
0x9c: {  	[sflag:s7] =	ssyncadd.s32 $0xFFFFE000;
	s14 =	sadd.s32 s15, s14  }
0x9d: {  	[hbm4b:s14+s3] =	stream.linear.scatter [tilespmem:s31], [sflag:$0xF], $0x2000, $0x38;
	[tilespmem:$0x16400] =	vst v63  }
0x9e: {  	_ =	swait.ge [sflag:s8], $0x2000  }
0x9f: {  	[sflag:s8] =	ssyncset.done $0x0  }
0xa0: {  	s14 =	sadd.s32 $0x580, s2;
	[sflag:s8] =	ssyncadd.s32 $0xFFFFE000  }
0xa1: {  	[tilespmem:s22], [sflag:$0x4] =	stream.indirect.gather [hbm4b:s4+s16], $0x40, s14, s16, $0xb8;
	[tilespmem:$0x16400] =	vst v63  }
0xa2: {  	_ =	swait.ge [sflag:s9], $0x2000  }
0xa3: {  	s14 =	rddreg [dreg:$0x3];
	[sflag:s9] =	ssyncset.done $0x0  }
0xa4: {  	[sflag:s9] =	ssyncadd.s32 $0xFFFFE000;
	s14 =	sadd.s32 s15, s14  }
0xa5: {  	[hbm4b:s14+s3] =	stream.linear.scatter [tilespmem:s19], [sflag:$0x10], $0x2000, $0x38;
	[tilespmem:$0x16400] =	vst v63  }
0xa6: {  	_ =	swait.ge [sflag:s10], $0x2000  }
0xa7: {  	[sflag:s10] =	ssyncset.done $0x0  }
0xa8: {  	s14 =	sadd.s32 $0x600, s2;
	[sflag:s10] =	ssyncadd.s32 $0xFFFFE000  }
0xa9: {  	[tilespmem:s24], [sflag:$0x5] =	stream.indirect.gather [hbm4b:s4+s16], $0x40, s14, s16, $0xb8;
	[tilespmem:$0x16400] =	vst v63  }
0xaa: {  	_ =	swait.ge [sflag:s25], $0x2000  }
0xab: {  	s14 =	rddreg [dreg:$0xa];
	[sflag:s25] =	ssyncset.done $0x0  }
0xac: {  	[sflag:s25] =	ssyncadd.s32 $0xFFFFE000;
	s14 =	sadd.s32 s15, s14  }
0xad: {  	[hbm4b:s14+s3] =	stream.linear.scatter [tilespmem:s17], [sflag:$0x9], $0x2000, $0x38;
	[tilespmem:$0x16400] =	vst v63  }
0xae: {  	_ =	swait.ge [sflag:s11], $0x2000  }
0xaf: {  	[sflag:s11] =	ssyncset.done $0x0  }
0xb0: {  	s14 =	sadd.s32 $0x680, s2;
	[sflag:s11] =	ssyncadd.s32 $0xFFFFE000  }
0xb1: {  	[tilespmem:s28], [sflag:$0x6] =	stream.indirect.gather [hbm4b:s4+s16], $0x40, s14, s16, $0xb8;
	[tilespmem:$0x16400] =	vst v63  }
0xb2: {  	_ =	swait.ge [sflag:s29], $0x2000  }
0xb3: {  	s14 =	rddreg [dreg:$0x9];
	[sflag:s29] =	ssyncset.done $0x0  }
0xb4: {  	[sflag:s29] =	ssyncadd.s32 $0xFFFFE000;
	s14 =	sadd.s32 s15, s14  }
0xb5: {  	[hbm4b:s14+s3] =	stream.linear.scatter [tilespmem:s18], [sflag:$0xA], $0x2000, $0x38;
	[tilespmem:$0x16400] =	vst v63  }
0xb6: {  	_ =	swait.ge [sflag:s12], $0x2000  }
0xb7: {  	[sflag:s12] =	ssyncset.done $0x0  }
0xb8: {  	s14 =	sadd.s32 $0x700, s2;
	[sflag:s12] =	ssyncadd.s32 $0xFFFFE000  }
0xb9: {  	[tilespmem:s31], [sflag:$0x7] =	stream.indirect.gather [hbm4b:s4+s16], $0x40, s14, s16, $0xb8;
	[tilespmem:$0x16400] =	vst v63  }
0xba: {  	_ =	swait.ge [sflag:s1], $0x2000  }
0xbb: {  	s14 =	rddreg [dreg:$0x8];
	[sflag:s1] =	ssyncset.done $0x0  }
0xbc: {  	[sflag:s1] =	ssyncadd.s32 $0xFFFFE000;
	s14 =	sadd.s32 s15, s14  }
0xbd: {  	[hbm4b:s14+s3] =	stream.linear.scatter [tilespmem:s20], [sflag:$0xB], $0x2000, $0x38;
	[tilespmem:$0x16400] =	vst v63  }
0xbe: {  	_ =	swait.ge [sflag:s13], $0x2000  }
0xbf: {  	p0 =	sne.s32 s6, $0x17000;
	[sflag:s13] =	ssyncset.done $0x0  }
.Ltmp0:
0xc0: {  	s2 =	sadd.s32 $0x780, s2;
	[sflag:s13] =	ssyncadd.s32 $0xFFFFE000;
	(pc) =	sbr.rel @p0 .LBB2_2-.Ltmp0, $4  }
0xc1: {  	[tilespmem:s19], [sflag:$0x8] =	stream.indirect.gather [hbm4b:s4+s16], $0x40, s2, s16, $0xb8;
	[tilespmem:$0x16400] =	vst v63  }
0xc2: {  	_ =	swait.ge [sflag:s21], $0x2000  }
0xc3: {  	s6 =	sadd.s32 $0x1000, s6;
	[sflag:s21] =	ssyncset.done $0x0;
	s14 =	rddreg [dreg:$0x7]  }
0xc4: {  	[sflag:s21] =	ssyncadd.s32 $0xFFFFE000;
	s2 =	sadd.s32 s15, s14;
	s15 =	sadd.s32 $0x2000, s15  }
0xc5: {  	[hbm4b:s2+s3] =	stream.linear.scatter [tilespmem:s22], [sflag:$0xC], $0x2000, $0x38;
	[tilespmem:$0x16400] =	vst v63  }
0xc6: {  	_ =	swait.ge [sflag:s26], $0x2000  }
0xc7: {  	[sflag:s26] =	ssyncset.done $0x0  }
0xc8: {  	s14 =	rddreg [dreg:$0x10];
	[sflag:s26] =	ssyncadd.s32 $0xFFFFE000  }
0xc9: {  	[hbm4b:s14+s3] =	stream.linear.scatter [tilespmem:s24], [sflag:$0xD], $0x2000, $0x38;
	[tilespmem:$0x16400] =	vst v63  }
0xca: {  	_ =	swait.ge [sflag:s0], $0x2000  }
0xcb: {  	[sflag:s0] =	ssyncset.done $0x0  }
0xcc: {  	s15 =	rddreg [dreg:$0x11];
	[sflag:s0] =	ssyncadd.s32 $0xFFFFE000  }
0xcd: {  	[hbm4b:s15+s3] =	stream.linear.scatter [tilespmem:s28], [sflag:$0xE], $0x2000, $0x38;
	[tilespmem:$0x16400] =	vst v63  }
0xce: {  	_ =	swait.ge [sflag:s7], $0x2000  }
0xcf: {  	[sflag:s7] =	ssyncset.done $0x0  }
0xd0: {  	s6 =	rddreg [dreg:$0x12];
	[sflag:s7] =	ssyncadd.s32 $0xFFFFE000  }
0xd1: {  	[hbm4b:s6+s3] =	stream.linear.scatter [tilespmem:s31], [sflag:$0xF], $0x2000, $0x38;
	[tilespmem:$0x16400] =	vst v63  }
0xd2: {  	_ =	swait.ge [sflag:s9], $0x2000  }
0xd3: {  	[sflag:s9] =	ssyncset.done $0x0  }
0xd4: {  	s14 =	rddreg [dreg:$0x13];
	[sflag:s9] =	ssyncadd.s32 $0xFFFFE000  }
0xd5: {  	[hbm4b:s14+s3] =	stream.linear.scatter [tilespmem:s19], [sflag:$0x10], $0x2000, $0x38;
	[tilespmem:$0x16400] =	vst v63  }
0xd6: {  	_ =	swait.ge [sflag:s23], $0x2000  }
0xd7: {  	[sflag:s23] =	ssyncset.done $0x0  }
0xd8: {  	[sflag:s23] =	ssyncadd.s32 $0xFFFFE000  }
0xd9: {  	_ =	swait.ge [sflag:s30], $0x2000  }
0xda: {  	[sflag:s30] =	ssyncset.done $0x0  }
0xdb: {  	[sflag:s30] =	ssyncadd.s32 $0xFFFFE000  }
0xdc: {  	_ =	swait.ge [sflag:s5], $0x2000  }
0xdd: {  	[sflag:s5] =	ssyncset.done $0x0  }
0xde: {  	[sflag:s5] =	ssyncadd.s32 $0xFFFFE000  }
0xdf: {  	_ =	swait.ge [sflag:s8], $0x2000  }
0xe0: {  	[sflag:s8] =	ssyncset.done $0x0  }
0xe1: {  	[sflag:s8] =	ssyncadd.s32 $0xFFFFE000  }
0xe2: {  	_ =	swait.ge [sflag:s10], $0x2000  }
0xe3: {  	[sflag:s10] =	ssyncset.done $0x0  }
0xe4: {  	[sflag:s10] =	ssyncadd.s32 $0xFFFFE000  }
0xe5: {  	_ =	swait.ge [sflag:s11], $0x2000  }
0xe6: {  	[sflag:s11] =	ssyncset.done $0x0  }
0xe7: {  	[sflag:s11] =	ssyncadd.s32 $0xFFFFE000  }
0xe8: {  	_ =	swait.ge [sflag:s12], $0x2000  }
0xe9: {  	[sflag:s12] =	ssyncset.done $0x0  }
0xea: {  	[sflag:s12] =	ssyncadd.s32 $0xFFFFE000  }
0xeb: {  	_ =	swait.ge [sflag:s13], $0x2000  }
0xec: {  	s6 =	rddreg [dreg:$0x15]  }
0xed: {  	s15 =	rddreg [dreg:$0x14];
	s6 =	sadd.s32 $0x1, s6  }
0xee: {  	p0 =	sne.s32 s6, s15  }
.Ltmp1:
0xef: {  	_ = 	snop;
	(pc) =	sbr.rel @p0 .LBB2_1-.Ltmp1, $3  }
0xf0: {  	_ =	sdelay $0x1  }
0xf1: {  	[sflag:s13] =	ssyncset.done $0x0  }
0xf2: {  	[sflag:s13] =	ssyncadd.s32 $0xFFFFE000  }
0xf3: {  	_ =	sfence.sel $0x180000  }
0xf4: {  	[bflag:$0x0] =	sbarrier.arrive $0xFFFF  }
0xf5: {  	_ =	strace $0x90000047  }
0xf6: {  	s0 =	stileid.u32;
	[bflag:$0x2] =	sbarrier.arrive $0xFFFF  }
0xf7: {  	p0 =	sne.s32 s0, $0x0;
	s0 =	rddreg [dreg:$0x2]  }
0xf8: {  	s0 =	sadd.s32 @!p0 $0x100000, s0  }
0xf9: {  	[sflag:s0] =	ssyncadd.tile.s32 @!p0 $0x1;
	_ =	shalt  }
.Lfunc_end2:
_tile_overlayer_lowered:
.L_overlay_start_2:
0xfa: {  	(tag) =	ssettag $0x2  }
0xfb: {  	s0 =	rddreg [dreg:$0x0];
	s2 =	stileid.u32  }
0xfc: {  	s1 =	rddreg [dreg:$0x1];
	p0 =	sne.s32 s2, $0x0  }
0xfd: {  	s3 =	rddreg [dreg:$0x2];
	[bflag:$0x3] =	sbarrier.arrive $0xFFFF;
	s2 =	simm.s32 @!p0 $0x1C11  }
0xfe: {  	[timem:s3], [sflag:s2] =	dma.local @!p0 [hbm:s0], s1  }
0xff: {  	s0 =	simm.s32 @!p0 $0x11  }
0x100: {  	_ =	swait.ge @!p0 [sflag:s0], s1  }
0x101: {  	s1 =	ssub.s32 @!p0 $0x0, s1;
	[sflag:s0] =	ssyncset.done @!p0 $0x0  }
0x102: {  	[sflag:s0] =	ssyncadd.s32 @!p0 s1  }
0x103: {  	[bflag:$0x3] =	sbarrier.arrive $0xFFFF  }
0x104: {  	_ =	shalt  }

// kernel: sparse-core-data-format-call.cloned.1.call-start
scs
called_computation_lowered:
.L_overlay_start_0:
0x0: {  	s2 =	sld [smem:$0x3FD9]  }
0x1: {  	s3 =	sld [smem:$0x3FFE];
	_ =	sdelay $0x1  }
0x2: {  	s1 =	srdreg.scid  }
0x3: {  	s0 =	sand.u32 $0x1, s1  }
0x4: {  	s18 =	sshll.u32 s0, $0xA;
	s2 =	sadd.s32 s3, s2  }
0x5: {  	s2 =	sadd.s32 s2, s18  }
0x6: {  	[smem:$0x3FC6] =	sst s2  }
0x7: {  	_ = 	snop  }
0x8: {  	s2 =	sld [smem:$0x3FD0];
	(tm) =	ssettm $0x1  }
0x9: {  	s19 =	sld [smem:$0x3FFB];
	_ =	sdelay $0x3  }
0xa: {  	_ =	strace s19  }
0xb: {  	s3 =	sld [smem:$0x3FFC];
	_ =	sdelay $0x3  }
0xc: {  	_ =	strace s3  }
0xd: {  	s3 =	sld [smem:$0x3FFD];
	_ =	sdelay $0x3  }
0xe: {  	_ =	strace s3  }
0xf: {  	_ =	strace $0x8FFFFFFF  }
0x10: {  	s20 =	sld [smem:$0x3FDB];
	_ =	sdelay $0x1  }
0x11: {  	s4 =	simm.s32 $_scs_section_size  }
0x12: {  	s5 =	simm.s32 $_size__tile_overlayer_lowered;
	s6 =	simm.s32 $_tile_overlayer_lowered  }
0x13: {  	s23 =	simm.s32 $0x1BFF;
	s22 =	sshll.u32 s6, $0x1;
	s3 =	sadd.s32 s4, s20  }
0x14: {  	s7 =	simm.s32 $0x0;
	s21 =	sshll.u32 s5, $0x1;
	s5 =	sadd.s32 s22, s3  }
0x15: {  	[timem:s7], [sflag:s23] =	dma.local [hbm:s5], s21  }
0x16: {  	_ =	swait.ge [sflag:s23], s21  }
0x17: {  	s4 =	ssub.s32 $0x0, s21;
	[sflag:s23] =	ssyncset.done $0x0  }
0x18: {  	[sflag:s23] =	ssyncadd.s32 s4;
	_ =	sdelay $0x1  }
0x19: {  	s24 =	simm.s32 $0x1B8B  }
0x1a: {  	_ =	swait.ge [sflag:s24], $0x1  }
0x1b: {  	[sflag:s24] =	ssyncset.done $0x0  }
0x1c: {  	s26 =	simm.s32 $0x1B8E;
	s25 =	sld [smem:$0x3FFE];
	[sflag:s24] =	ssyncadd.s32 $0xFFFFFFFF  }
0x1d: {  	s27 =	simm.s32 $execute0_lowered;
	[smem:$0x3FD2] =	sst s26  }
0x1e: {  	s5 =	sshll.u32 s27, $0x1;
	_ =	strace $0x80000049;
	[dreg:$0x1] =	wrdreg $0xFFFFFFFF  }
0x1f: {  	s28 =	simm.s32 $_size_execute0_lowered;
	s3 =	sadd.s32 s3, s5;
	[dreg:$0x0] =	wrdreg $0x0  }
0x20: {  	s5 =	sshll.u32 s28, $0x1;
	[dreg:$0x2] =	wrdreg s3  }
0x21: {  	[dreg:$0x3] =	wrdreg s5  }
0x22: {  	[dreg:$0x4] =	wrdreg $0xC0  }
0x23: {  	_ =	task [dreg:s7], $0x5FFFF  }
0x24: {  	[dreg:$0x1] =	wrdreg $0xFFFFFFFF  }
0x25: {  	[dreg:$0x0] =	wrdreg $0x60  }
0x26: {  	[dreg:$0x2] =	wrdreg s25  }
0x27: {  	[dreg:$0x3] =	wrdreg s2  }
0x28: {  	[dreg:$0x4] =	wrdreg $0x9  }
0x29: {  	_ =	task.clear_ibuf [dreg:s7], $0x5FFFF;
	_ =	strace $0x90000049  }
0x2a: {  	s29 =	simm.s32 $0x9;
	_ =	strace $0x8000004B  }
0x2b: {  	_ =	swait.ge [sflag:s29], $0x1  }
0x2c: {  	[sflag:s29] =	ssyncadd.s32 $0xFFFFFFFF  }
0x2d: {  	_ =	strace $0x9000004B  }
0x2e: {  	_ =	sfence  }
0x2f: {  	s30 =	sld [smem:$0x0];
	_ =	sdelay $0x2  }
0x30: {  	s31 =	sshll.u32 s1, $0xD;
	s1 =	sshrl.u32 s1, $0x2  }
0x31: {  	s3 =	sand.u32 $0x4000, s31;
	s1 =	sadd.s32 s1, s30  }
0x32: {  	s0 =	sor.u32 s3, s0;
	s1 =	sshll.u32 s1, $0x11  }
0x33: {  	s0 =	sor.u32 s1, s0  }
0x34: {  	s0 =	sadd.s32 $0x8F2B, s0  }
0x35: {  	[sflag:s0] =	ssyncadd.remote.s32 $0x1  }
0x36: {  	_ =	sfence.sel $0xFFFF  }
0x37: {  	[dreg:$0x0] =	wrdreg $0xFFFFFFFF;
	(pc) =	sbr.abs _section_cstart, $3  }
0x38: {  	[dreg:$0x1] =	wrdreg $0xFFFFFFFF  }
0x39: {  	_ =	task.clear_ibuf [dreg:s7], $0x2FFFF;
	_ =	strace $0x9FFFFFFF  }
0x3a: {  	(tm) =	ssettm $0x7FFFFFFF  }
0x3b: {  	_ =	shalt  }
tec
execute0_lowered:
.L_overlay_start_1:
0x0: {  	(tag) =	ssettag $0x1  }
0x1: {  	s0 =	srdreg.scid  }
0x2: {  	s1 =	sshll.u32 s0, $0x4  }
0x3: {  	s0 =	stileid.u32;
	s1 =	sand.u32 $0x10, s1  }
0x4: {  	s1 =	sor.u32 s0, s1  }
0x5: {  	s6 =	rddreg [dreg:$0x0];
	s4 =	simm.s32 $0x1;
	s2 =	sshll.u32 s1, $0x7  }
0x6: {  	s7 =	simm.s32 $0x2;
	s12 =	simm.s32 $0x0;
	s1 =	ssub.s32 $0x4000, s2  }
0x7: {  	s8 =	simm.s32 $0x20000;
	s13 =	simm.s32 $0x0;
	s3 =	sand.u32 $0xF80, s1  }
0x8: {  	s9 =	simm.s32 $0x0;
	s5 =	sshrl.u32 s1, $0xC;
	p0 =	sne.s32 s3, $0x0  }
.Ltmp0:
0x9: {  	s1 =	rddreg [dreg:$0x2];
	s4 =	simm.s32 @!p0 $0x0;
	(pc) =	sbr.rel .LBB1_1-.Ltmp0, $4  }
0xa: {  	s11 =	simm.s32 $0x0;
	s3 =	rddreg [dreg:$0x1];
	s5 =	sadd.s32 s4, s5  }
0xb: {  	_ =	strace $0x8000004A;
	s4 =	simm.s32 $0x1;
	s5 =	smul.u32 $0x32, s5  }
0xc: {  	s6 =	sadd.s32 $0xA00, s6;
	s10 =	smov.u32 s2;
	[sflag:s4] =	ssyncpa.u1 $0x0  }
0xd: {  	p0 =	por $0x0, $0x0;
	[sflag:s7] =	ssyncpa.u1 $0x0;
	s7 =	sor.u32 $0x1, s5  }
.LBB1_4:
0xe: {  	s16 =	sshll.u32 s13, $0x3;
	s17 =	sand.u32 $0x78, s13  }
0xf: {  	s30 =	sand.u32 $0x1F800, s13;
	s12 =	sshll.u32 s12, $0x11;
	s16 =	sand.u32 $0x3C00, s16  }
0x10: {  	[tilespmem:s15+$0x810 ss:$0x81] =	vst.msk $0xffff, v2;
	s31 =	sand.u32 $0x7, s13;
	s16 =	sor.u32 s17, s16;
	s17 =	sadd.s32 s3, s30  }
0x11: {  	[tilespmem:s15+$0x1020 ss:$0x81] =	vst.msk $0xffff, v0;
	s13 =	sshll.u32 s31, $0x12;
	s12 =	sadd.s32 s12, s17;
	s16 =	sshrl.u32 s16, $0x3  }
0x12: {  	[tilespmem:s15+$0x0 ss:$0x81] =	vst.msk $0xffff, v1;
	s13 =	sor.u32 $0x400, s13;
	s12 =	sadd.s32 s16, s12  }
0x13: {  	[hbm4b:s12+s13] =	stream.strided.scatter [tilespmem:s14], [sflag:$0x2], $0x2000, s8, s13, $0x20;
	[tilespmem:$0x8080] =	vst v63  }
.LBB1_5:
0x14: {  	s14 =	sadd.s32 $0x1, s9  }
0x15: {  	s12 =	sadd.s32 $0x1000, s10;
	s16 =	smov.u32 s10;
	p2 =	sgt.s32 s14, $0x31  }
0x16: {  	s16 =	smov.u32 @p2 s12  }
0x17: {  	s14 =	simm.s32 @p2 $0x0;
	p2 =	sgt.s32 s16, $0x3FFF  }
0x18: {  	s16 =	smov.u32 @p2 s2;
	p2 =	sne.s32 s11, s7  }
.Ltmp1:
0x19: {  	p1 =	slt.u32 s11, $0x2;
	(pc) =	sbr.rel @!p2 .LBB1_6-.Ltmp1, $4  }
0x1a: {  	s15 =	simm.s32 @!p1 $0x2  }
0x1b: {  	s13 =	smov.u32 s10;
	p0 =	por !p0, !p0;
	_ =	swait.ge @!p1 [sflag:s15], $0x2000  }
0x1c: {  	s12 =	smov.u32 s9;
	[sflag:s15] =	ssyncset.done @!p1 $0x0;
	s9 =	smov.u32 s14  }
0x1d: {  	s11 =	sadd.s32 $0x1, s11;
	[sflag:s15] =	ssyncadd.s32 @!p1 $0xFFFFE000;
	s10 =	smov.u32 s16  }
.LBB1_1:
0x1e: {  	p1 =	sge.u32 s11, s5  }
0x1f: {  	s14 =	sand.u32 @!p1 $0x1FFFFFF, s9  }
0x20: {  	s15 =	smulhi.u32 @!p1 $0x4924925, s14;
	_ =	sdelay $0x1  }
0x21: {  	s15 =	smul.u32 @!p1 $0x38, s15  }
0x22: {  	s16 =	sxor.u32 @!p1 $0xFFFFFFFF, s11;
	s17 =	smul.u32 @!p1 $0x380, s10  }
0x23: {  	s31 =	sadd.s32 $0xFFFFFFFF, s11;
	s16 =	sshll.u32 @!p1 s16, $0xD;
	s14 =	ssub.s32 @!p1 s14, s15  }
0x24: {  	s15 =	sand.u32 @!p1 $0x2000, s16;
	s16 =	sadd.s32 @!p1 s6, s17;
	s14 =	sshll.u32 @!p1 s14, $0x4  }
0x25: {  	s17 =	simm.s32 @!p1 $0x1C00;
	s14 =	sadd.s32 @!p1 s14, s16;
	s16 =	simm.s32 @!p1 $0x40  }
0x26: {  	[tilespmem:s15], [sflag:$0x1] =	stream.strided.gather @!p1 [hbm4b:s14+s16], $0x2000, s17, s16, $0x38;
	[tilespmem:$0x8080] =	vst v63  }
0x27: {  	p1 =	sge.u32 s31, s5  }
.Ltmp2:
0x28: {  	_ = 	snop;
	(pc) =	sbr.rel @p1 .LBB1_5-.Ltmp2, $1  }
0x29: {  	_ =	sdelay $0x3  }
0x2a: {  	s14 =	simm.s32 $0x1  }
0x2b: {  	_ =	swait.ge [sflag:s4], $0x2000;
	s14 =	simm.s32 @!p0 $0x0  }
0x2c: {  	[sflag:s4] =	ssyncset.done $0x0;
	s15 =	sshll.u32 s14, $0xD  }
0x2d: {  	[sflag:s4] =	ssyncadd.s32 $0xFFFFE000;
	s18 =	sor.u32 $0x20, s15  }
0x2e: {  	s14 =	smul.u32 $0x8100, s14;
	v3 =	vld [tilespmem:s18+$0x10]  }
0x2f: {  	s30 =	sand.u32 $0x1, s11;
	v2 =	vld [tilespmem:s18+$0xFFFFFFF0]  }
0x30: {  	s15 =	smul.u32 $0x8100, s30;
	s14 =	sshrl.u32 s14, $0x2;
	v0 =	vld [tilespmem:s18+$0x0]  }
0x31: {  	v1 =	vld [tilespmem:s18+$0xFFFFFFE0];
	s16 =	sor.u32 $0x4000, s14  }
0x32: {  	s31 =	sshrl.u32 s15, $0x2;
	s15 =	sadd.s32 $0x0, s16  }
0x33: {  	s17 =	simm.s32 $0x4;
	s18 =	sadd.s32 $0x40, s18;
	s14 =	sor.u32 $0x4000, s31;
	[tilespmem:s15+$0x1830 ss:$0x81] =	vst.msk $0xffff, v3  }
.LBB1_3:
0x34: {  	v3 =	vld [tilespmem:s18+$0x10];
	p1 =	sne.s32 s17, $0x1FC;
	[tilespmem:s15+$0x810 ss:$0x81] =	vst.msk $0xffff, v2;
	s19 =	smov.u32 s17;
	s17 =	sadd.s32 $0x4, s17  }
.Ltmp3:
0x35: {  	v2 =	vld [tilespmem:s18+$0xFFFFFFF0];
	[tilespmem:s15+$0x1020 ss:$0x81] =	vst.msk $0xffff, v0;
	(pc) =	sbr.rel @p1 .LBB1_3-.Ltmp3, $4  }
0x36: {  	v0 =	vld [tilespmem:s18+$0x0];
	[tilespmem:s15+$0x0 ss:$0x81] =	vst.msk $0xffff, v1  }
0x37: {  	s15 =	sshra.s32 s19, $0x2;
	v1 =	vld [tilespmem:s18+$0xFFFFFFE0]  }
0x38: {  	s15 =	sadd.s32 s15, s16  }
0x39: {  	s18 =	sadd.s32 $0x40, s18;
	[tilespmem:s15+$0x1830 ss:$0x81] =	vst.msk $0xffff, v3  }
.Ltmp4:
0x3a: {  	_ = 	snop;
	(pc) =	sbr.rel .LBB1_4-.Ltmp4, $1  }
0x3b: {  	_ =	sdelay $0x3  }
.LBB1_6:
0x3c: {  	_ =	sfence.sel $0x180000  }
0x3d: {  	s2 =	simm.s32 $0x1;
	[bflag:$0x0] =	sbarrier.arrive $0xFFFF  }
0x3e: {  	s31 =	simm.s32 $0x2;
	[sflag:s2] =	ssyncpa.u1 $0x1  }
0x3f: {  	[sflag:s31] =	ssyncpa.u1 $0x1  }
0x40: {  	p0 =	sne.s32 s0, $0x0;
	_ =	strace $0x9000004A  }
0x41: {  	s0 =	sadd.s32 @!p0 $0x100000, s1;
	[bflag:$0x2] =	sbarrier.arrive $0xFFFF  }
0x42: {  	[sflag:s0] =	ssyncadd.tile.s32 @!p0 $0x1;
	_ =	shalt  }
.Lfunc_end1:
_tile_overlayer_lowered:
.L_overlay_start_2:
0x43: {  	(tag) =	ssettag $0x2  }
0x44: {  	s0 =	rddreg [dreg:$0x0];
	s2 =	stileid.u32  }
0x45: {  	s1 =	rddreg [dreg:$0x1];
	p0 =	sne.s32 s2, $0x0  }
0x46: {  	s3 =	rddreg [dreg:$0x2];
	[bflag:$0x3] =	sbarrier.arrive $0xFFFF;
	s2 =	simm.s32 @!p0 $0x1C01  }
0x47: {  	[timem:s3], [sflag:s2] =	dma.local @!p0 [hbm:s0], s1  }
0x48: {  	s0 =	simm.s32 @!p0 $0x1  }
0x49: {  	_ =	swait.ge @!p0 [sflag:s0], s1  }
0x4a: {  	s1 =	ssub.s32 @!p0 $0x0, s1;
	[sflag:s0] =	ssyncset.done @!p0 $0x0  }
0x4b: {  	[sflag:s0] =	ssyncadd.s32 @!p0 s1  }
0x4c: {  	[bflag:$0x3] =	sbarrier.arrive $0xFFFF  }
0x4d: {  	_ =	shalt  }

</sc_bundles>
